<compile_context>
chip_gen: v7x
topology: tpu7x:2x2x1
jax: 0.10.2.dev20260603
libtpu: 0.0.44.dev20260713+nightly
codegen_flags: <defaults>
</compile_context>

<pallas_src>
import functools

import jax
import jax.numpy as jnp
import numpy as np
from jax import lax
from jax.experimental import pallas as pl
from jax.experimental.pallas import tpu as pltpu
from jax.experimental.pallas import tpu_sc as plsc

_N = 100000
_D = 64
_B = 4096
_NC = 2
_NS = 16
_NW = _NC * _NS
_PER_W = 3200
_CHUNK = 128
_NCHUNK = _PER_W // _CHUNK
_NPAD = _NW * _PER_W
_BPW = _B // _NW

_U32 = np.uint32


def _rotl(x, r):
    return (x << _U32(r)) | (x >> _U32(32 - r))


def _threefry2x32_raw(k1, k2, x1, x2):
    x = [x1.astype(_U32).copy(), x2.astype(_U32).copy()]
    rotations = [(13, 15, 26, 6), (17, 29, 16, 24)]
    ks = [_U32(k1), _U32(k2), _U32(k1) ^ _U32(k2) ^ _U32(0x1BD11BDA)]
    with np.errstate(over="ignore"):
        x[0] = x[0] + ks[0]
        x[1] = x[1] + ks[1]
        for i in range(5):
            for r in rotations[i % 2]:
                x[0] = x[0] + x[1]
                x[1] = _rotl(x[1], r)
                x[1] = x[0] ^ x[1]
            x[0] = x[0] + ks[(i + 1) % 3]
            x[1] = x[1] + ks[(i + 2) % 3] + _U32(i + 1)
    return x[0], x[1]


def _key_split(key):
    b1, b2 = _threefry2x32_raw(key[0], key[1],
                               np.zeros(2, _U32), np.arange(2, dtype=_U32))
    return np.stack([b1, b2], axis=1)


def _permutation_np(n):
    key = _key_split(np.zeros(2, _U32))[0]
    x = np.arange(n, dtype=np.int32)
    num_rounds = int(np.ceil(3 * np.log(max(1, n)) / np.log(np.iinfo(_U32).max)))
    for _ in range(num_rounds):
        key, subkey = _key_split(key)
        b1, b2 = _threefry2x32_raw(subkey[0], subkey[1],
                                   np.zeros(n, _U32), np.arange(n, dtype=_U32))
        x = x[np.argsort(b1 ^ b2, kind="stable")]
    return x


_SIGMA = _permutation_np(_N)


@functools.partial(
    pl.kernel,
    out_type=(
        jax.ShapeDtypeStruct((_NPAD,), jnp.int32),
        jax.ShapeDtypeStruct((_B,), jnp.int32),
    ),
    mesh=plsc.VectorSubcoreMesh(core_axis_name="c", subcore_axis_name="s"),
    compiler_params=pltpu.CompilerParams(use_tc_tiling_on_sc=False,
                                         needs_layout_passes=False),
    scratch_types=[
        pltpu.VMEM_SHARED((_N,), jnp.int32),
        pltpu.VMEM((_PER_W,), jnp.int32),
        pltpu.VMEM((_PER_W,), jnp.int32),
        pltpu.VMEM((_BPW,), jnp.int32),
        pltpu.VMEM((_BPW,), jnp.int32),
        pltpu.SemaphoreType.DMA,
        pltpu.SemaphoreType.DMA,
    ],
)
def _shuffle_ids(indices_hbm, sigma_hbm, bsig_hbm,
                 ind2_out, bidx_out,
                 indsh_v, sig_v, ind2_v, bsig_v, bidx_v, sem_a, sem_b):
    wid = lax.axis_index("s") * _NC + lax.axis_index("c")
    sid = lax.axis_index("s")
    abase = wid * _PER_W
    bbase = wid * _BPW

    pltpu.sync_copy(sigma_hbm.at[pl.ds(abase, _PER_W)], sig_v)
    pltpu.sync_copy(bsig_hbm.at[pl.ds(bbase, _BPW)], bsig_v)

    @pl.when(sid == 0)
    def _stage():
        pltpu.sync_copy(indices_hbm, indsh_v)

    plsc.subcore_barrier()

    copies = []
    for j in range(_NCHUNK):
        sl = pl.ds(j * _CHUNK, _CHUNK)
        copies.append(
            pltpu.make_async_copy(indsh_v.at[sig_v.at[sl]],
                                  ind2_v.at[sl], sem_a))
        copies[-1].start()

    pltpu.async_copy(indsh_v.at[bsig_v], bidx_v, sem_b).wait()
    pltpu.sync_copy(bidx_v, bidx_out.at[pl.ds(bbase, _BPW)])

    for c in copies:
        c.wait()
    pltpu.sync_copy(ind2_v, ind2_out.at[pl.ds(abase, _PER_W)])


@functools.partial(
    pl.kernel,
    out_type=jax.ShapeDtypeStruct((_B, _D), jnp.float32),
    mesh=plsc.VectorSubcoreMesh(core_axis_name="c", subcore_axis_name="s"),
    compiler_params=pltpu.CompilerParams(use_tc_tiling_on_sc=False),
    scratch_types=[
        pltpu.VMEM((_BPW,), jnp.int32),
        pltpu.VMEM((_BPW, _D), jnp.float32),
        pltpu.SemaphoreType.DMA,
    ],
)
def _row_gather(table_hbm, bidx_hbm, batch_out, bidx_v, rows_v, sem):
    wid = lax.axis_index("s") * _NC + lax.axis_index("c")
    bbase = wid * _BPW
    pltpu.sync_copy(bidx_hbm.at[pl.ds(bbase, _BPW)], bidx_v)
    pltpu.async_copy(table_hbm.at[bidx_v], rows_v, sem).wait()
    pltpu.sync_copy(rows_v, batch_out.at[pl.ds(bbase, _BPW)])


def kernel(table, indices, position, reset):
    reset_b = reset[0]
    sig = jnp.where(reset_b, jnp.asarray(_SIGMA), lax.iota(jnp.int32, _N))
    pos2 = jnp.where(reset_b, jnp.int32(0), position)
    bsig = lax.dynamic_slice_in_dim(sig, pos2, _B)
    sig_pad = jnp.concatenate([sig, jnp.zeros((_NPAD - _N,), jnp.int32)])
    ind2_pad, bidx = _shuffle_ids(indices, sig_pad, bsig)
    batch = _row_gather(table, bidx)
    indices2 = lax.slice_in_dim(ind2_pad, 0, _N)
    new_position = pos2 + _B
    reset_condition = pos2 >= _N
    return batch, indices2, new_position, reset_condition

# --- scband reference (transcript-rebuilt; emitter-appended) ---
"""Pipeline reference for scband-data-loader-850403524811 (READ-ONLY COPY).

The authoritative reference and input builder live on the scoring server;
editing this copy changes nothing except your own understanding.
"""

import jax
import jax.numpy as jnp
import numpy as np

DATASET_LEN = 100000
EMBED_DIM = 64
BATCH_SIZE = 4096
DROP_LAST = False


def setup_inputs(seed: int = 0) -> dict:
    key = jax.random.key(seed)
    # The 'dataset' is modeled as a dense table of items; dataset(i) == table[i]
    table = jax.random.normal(jax.random.fold_in(key, 0), (DATASET_LEN, EMBED_DIM), dtype=jnp.float32)
    # State: indices_index (arange over dataset), position_index, reset flag (shuffle=True at init)
    indices = jnp.arange(DATASET_LEN, dtype=jnp.int32)
    position = jnp.array(0, dtype=jnp.int32)
    reset = jnp.ones((1,), dtype=bool)  # shuffle=True -> initial reset is True
    return {"table": table, "indices": indices, "position": position, "reset": reset}


def reference(table, indices, position, reset):
    # Faithful translation of DataLoader.__call__ with dataset(i) = table[i].
    rng_key = jax.random.PRNGKey(0)  # rng_key_index state (internal)
    reset_b = reset[0]

    def shuffle_indices(ind, k):
        shuffle_key, k = jax.random.split(k)
        return jax.random.permutation(shuffle_key, ind), k

    indices2, rng_key = jax.lax.cond(
        reset_b,
        lambda ind, k: shuffle_indices(ind, k),
        lambda ind, k: (ind, k),
        indices, rng_key,
    )
    position2 = jax.lax.cond(reset_b, lambda p: jnp.zeros_like(p), lambda p: p, position)

    n = indices2.shape[0]
    to_subtract = jax.lax.rem(n, BATCH_SIZE) if DROP_LAST else 0
    reset_condition = position2 >= (n - to_subtract)

    batch_indices = jax.lax.dynamic_slice_in_dim(indices2, position2, BATCH_SIZE)
    # batch = vmap(dataset)(batch_indices)  ->  embedding-style gather
    batch = jnp.take(table, batch_indices, axis=0)

    new_position = position2 + BATCH_SIZE
    return (batch, indices2, new_position, reset_condition)

if __name__ == "__main__":
    import jax
    _d = setup_inputs()
    print(jax.jit(kernel)(*tuple(_d.values())))

</pallas_src>

<mosaic_0001>
#map = affine_map<(d0, d1) -> (0)>
module attributes {stable_mosaic.version = 14 : i64} {
  func.func @_shuffle_ids(%arg0: i32, %arg1: i32, %arg2: memref<100000xi32, #tpu.memory_space<hbm>>, %arg3: memref<102400xi32, #tpu.memory_space<hbm>>, %arg4: memref<4096xi32, #tpu.memory_space<hbm>>, %arg5: memref<102400xi32, #tpu.memory_space<hbm>>, %arg6: memref<4096xi32, #tpu.memory_space<hbm>>, %arg7: memref<100000xi32, #tpu.memory_space<vmem_shared>>, %arg8: memref<3200xi32, #tpu.memory_space<vmem>>, %arg9: memref<3200xi32, #tpu.memory_space<vmem>>, %arg10: memref<128xi32, #tpu.memory_space<vmem>>, %arg11: memref<128xi32, #tpu.memory_space<vmem>>, %arg12: memref<!tpu.dma_semaphore, #tpu.memory_space<semaphore_mem>>, %arg13: memref<!tpu.dma_semaphore, #tpu.memory_space<semaphore_mem>>) attributes {dimension_semantics = [#tpu.dimension_semantics<core_parallel>, #tpu.dimension_semantics<subcore_parallel>], iteration_bounds = array<i64: 2, 16>, scalar_prefetch = 0 : i64, scratch_operands = 7 : i64, tpu.core_type = #tpu.core_type<sc_vector_subcore>, window_params = [{transform_indices = #map}, {transform_indices = #map}, {transform_indices = #map}, {transform_indices = #map}, {transform_indices = #map}]} {
    %mul3A = arith.constant 2 : i32
    %mul3A_0 = arith.muli %arg1, %mul3A : i32
    %add3A = arith.addi %mul3A_0, %arg0 : i32
    %mul3A_1 = arith.constant 3200 : i32
    %mul3A_2 = arith.muli %add3A, %mul3A_1 : i32
    %mul3A_3 = arith.constant 128 : i32
    %mul3A_4 = arith.muli %add3A, %mul3A_3 : i32
    "tpu.region"() ({
      %run_scoped3A = tpu.sem_alloc : memref<!tpu.dma_semaphore, #tpu.memory_space<semaphore_mem>>
      %dma_start3A_309 = tpu.memref_slice %arg3[%mul3A_2] : memref<102400xi32, #tpu.memory_space<hbm>> -> memref<3200xi32, #tpu.memory_space<hbm>>
      %dma_start3A_310 = tpu.memref_slice %arg3[%mul3A_2] : memref<102400xi32, #tpu.memory_space<hbm>> -> memref<3200xi32, #tpu.memory_space<hbm>>
      tpu.enqueue_dma source(%dma_start3A_310 : memref<3200xi32, #tpu.memory_space<hbm>>) target(%arg8 : memref<3200xi32, #tpu.memory_space<vmem>>) target_semaphore(%run_scoped3A : memref<!tpu.dma_semaphore, #tpu.memory_space<semaphore_mem>>)
      %dma_wait3A_311 = tpu.memref_slice %arg3[%mul3A_2] : memref<102400xi32, #tpu.memory_space<hbm>> -> memref<3200xi32, #tpu.memory_space<hbm>>
      %dma_wait3A_312 = tpu.memref_slice %arg3[%mul3A_2] : memref<102400xi32, #tpu.memory_space<hbm>> -> memref<3200xi32, #tpu.memory_space<hbm>>
      tpu.wait_dma2 semaphore(%run_scoped3A : memref<!tpu.dma_semaphore, #tpu.memory_space<semaphore_mem>>) src(%dma_wait3A_312 : memref<3200xi32, #tpu.memory_space<hbm>>) dst(%arg8 : memref<3200xi32, #tpu.memory_space<vmem>>)
      tpu.yield
    }) : () -> ()
    "tpu.region"() ({
      %run_scoped3A = tpu.sem_alloc : memref<!tpu.dma_semaphore, #tpu.memory_space<semaphore_mem>>
      %dma_start3A_309 = tpu.memref_slice %arg4[%mul3A_4] : memref<4096xi32, #tpu.memory_space<hbm>> -> memref<128xi32, #tpu.memory_space<hbm>>
      %dma_start3A_310 = tpu.memref_slice %arg4[%mul3A_4] : memref<4096xi32, #tpu.memory_space<hbm>> -> memref<128xi32, #tpu.memory_space<hbm>>
      tpu.enqueue_dma source(%dma_start3A_310 : memref<128xi32, #tpu.memory_space<hbm>>) target(%arg10 : memref<128xi32, #tpu.memory_space<vmem>>) target_semaphore(%run_scoped3A : memref<!tpu.dma_semaphore, #tpu.memory_space<semaphore_mem>>)
      %dma_wait3A_311 = tpu.memref_slice %arg4[%mul3A_4] : memref<4096xi32, #tpu.memory_space<hbm>> -> memref<128xi32, #tpu.memory_space<hbm>>
      %dma_wait3A_312 = tpu.memref_slice %arg4[%mul3A_4] : memref<4096xi32, #tpu.memory_space<hbm>> -> memref<128xi32, #tpu.memory_space<hbm>>
      tpu.wait_dma2 semaphore(%run_scoped3A : memref<!tpu.dma_semaphore, #tpu.memory_space<semaphore_mem>>) src(%dma_wait3A_312 : memref<128xi32, #tpu.memory_space<hbm>>) dst(%arg10 : memref<128xi32, #tpu.memory_space<vmem>>)
      tpu.yield
    }) : () -> ()
    %eq3A = arith.constant 0 : i32
    %eq3A_5 = arith.cmpi eq, %arg1, %eq3A : i32
    %convert_element_type3A = arith.extui %eq3A_5 : i1 to i32
    %cond3A = arith.constant 0 : i32
    %cond3A_6 = arith.cmpi ne, %convert_element_type3A, %cond3A : i32
    scf.if %cond3A_6 {
      "tpu.region"() ({
        %run_scoped3A = tpu.sem_alloc : memref<!tpu.dma_semaphore, #tpu.memory_space<semaphore_mem>>
        tpu.enqueue_dma source(%arg2 : memref<100000xi32, #tpu.memory_space<hbm>>) target(%arg7 : memref<100000xi32, #tpu.memory_space<vmem_shared>>) target_semaphore(%run_scoped3A : memref<!tpu.dma_semaphore, #tpu.memory_space<semaphore_mem>>)
        tpu.wait_dma2 semaphore(%run_scoped3A : memref<!tpu.dma_semaphore, #tpu.memory_space<semaphore_mem>>) src(%arg2 : memref<100000xi32, #tpu.memory_space<hbm>>) dst(%arg7 : memref<100000xi32, #tpu.memory_space<vmem_shared>>)
        tpu.yield
      }) : () -> ()
    } else {
    }
    %barrier3A = arith.constant 0 : index
    tpu.barrier barrier_id(%barrier3A)
    %dma_start3A = arith.constant 0 : i32
    %dma_start3A_7 = tpu.memref_slice %arg9[%dma_start3A] : memref<3200xi32, #tpu.memory_space<vmem>> -> memref<128xi32, #tpu.memory_space<vmem>>
    %dma_start3A_8 = arith.constant 0 : i32
    %dma_start3A_9 = tpu.memref_slice %arg8[%dma_start3A_8] : memref<3200xi32, #tpu.memory_space<vmem>> -> memref<128xi32, #tpu.memory_space<vmem>>
    %dma_start3A_10 = arith.constant 0 : i32
    %dma_start3A_11 = tpu.memref_slice %arg7[%dma_start3A_10] : memref<100000xi32, #tpu.memory_space<vmem_shared>> -> memref<100000xi32, #tpu.memory_space<vmem_shared>>
    tpu.enqueue_indirect_dma source(%dma_start3A_11 : memref<100000xi32, #tpu.memory_space<vmem_shared>>) target(%dma_start3A_7 : memref<128xi32, #tpu.memory_space<vmem>>) offsets(%dma_start3A_9 : memref<128xi32, #tpu.memory_space<vmem>>) semaphore(%arg12 : memref<!tpu.dma_semaphore, #tpu.memory_space<semaphore_mem>>)
    %dma_start3A_12 = arith.constant 128 : i32
    %dma_start3A_13 = tpu.memref_slice %arg9[%dma_start3A_12] : memref<3200xi32, #tpu.memory_space<vmem>> -> memref<128xi32, #tpu.memory_space<vmem>>
    %dma_start3A_14 = arith.constant 128 : i32
    %dma_start3A_15 = tpu.memref_slice %arg8[%dma_start3A_14] : memref<3200xi32, #tpu.memory_space<vmem>> -> memref<128xi32, #tpu.memory_space<vmem>>
    %dma_start3A_16 = arith.constant 0 : i32
    %dma_start3A_17 = tpu.memref_slice %arg7[%dma_start3A_16] : memref<100000xi32, #tpu.memory_space<vmem_shared>> -> memref<100000xi32, #tpu.memory_space<vmem_shared>>
    tpu.enqueue_indirect_dma source(%dma_start3A_17 : memref<100000xi32, #tpu.memory_space<vmem_shared>>) target(%dma_start3A_13 : memref<128xi32, #tpu.memory_space<vmem>>) offsets(%dma_start3A_15 : memref<128xi32, #tpu.memory_space<vmem>>) semaphore(%arg12 : memref<!tpu.dma_semaphore, #tpu.memory_space<semaphore_mem>>)
    %dma_start3A_18 = arith.constant 256 : i32
    %dma_start3A_19 = tpu.memref_slice %arg9[%dma_start3A_18] : memref<3200xi32, #tpu.memory_space<vmem>> -> memref<128xi32, #tpu.memory_space<vmem>>
    %dma_start3A_20 = arith.constant 256 : i32
    %dma_start3A_21 = tpu.memref_slice %arg8[%dma_start3A_20] : memref<3200xi32, #tpu.memory_space<vmem>> -> memref<128xi32, #tpu.memory_space<vmem>>
    %dma_start3A_22 = arith.constant 0 : i32
    %dma_start3A_23 = tpu.memref_slice %arg7[%dma_start3A_22] : memref<100000xi32, #tpu.memory_space<vmem_shared>> -> memref<100000xi32, #tpu.memory_space<vmem_shared>>
    tpu.enqueue_indirect_dma source(%dma_start3A_23 : memref<100000xi32, #tpu.memory_space<vmem_shared>>) target(%dma_start3A_19 : memref<128xi32, #tpu.memory_space<vmem>>) offsets(%dma_start3A_21 : memref<128xi32, #tpu.memory_space<vmem>>) semaphore(%arg12 : memref<!tpu.dma_semaphore, #tpu.memory_space<semaphore_mem>>)
    %dma_start3A_24 = arith.constant 384 : i32
    %dma_start3A_25 = tpu.memref_slice %arg9[%dma_start3A_24] : memref<3200xi32, #tpu.memory_space<vmem>> -> memref<128xi32, #tpu.memory_space<vmem>>
    %dma_start3A_26 = arith.constant 384 : i32
    %dma_start3A_27 = tpu.memref_slice %arg8[%dma_start3A_26] : memref<3200xi32, #tpu.memory_space<vmem>> -> memref<128xi32, #tpu.memory_space<vmem>>
    %dma_start3A_28 = arith.constant 0 : i32
    %dma_start3A_29 = tpu.memref_slice %arg7[%dma_start3A_28] : memref<100000xi32, #tpu.memory_space<vmem_shared>> -> memref<100000xi32, #tpu.memory_space<vmem_shared>>
    tpu.enqueue_indirect_dma source(%dma_start3A_29 : memref<100000xi32, #tpu.memory_space<vmem_shared>>) target(%dma_start3A_25 : memref<128xi32, #tpu.memory_space<vmem>>) offsets(%dma_start3A_27 : memref<128xi32, #tpu.memory_space<vmem>>) semaphore(%arg12 : memref<!tpu.dma_semaphore, #tpu.memory_space<semaphore_mem>>)
    %dma_start3A_30 = arith.constant 512 : i32
    %dma_start3A_31 = tpu.memref_slice %arg9[%dma_start3A_30] : memref<3200xi32, #tpu.memory_space<vmem>> -> memref<128xi32, #tpu.memory_space<vmem>>
    %dma_start3A_32 = arith.constant 512 : i32
    %dma_start3A_33 = tpu.memref_slice %arg8[%dma_start3A_32] : memref<3200xi32, #tpu.memory_space<vmem>> -> memref<128xi32, #tpu.memory_space<vmem>>
    %dma_start3A_34 = arith.constant 0 : i32
    %dma_start3A_35 = tpu.memref_slice %arg7[%dma_start3A_34] : memref<100000xi32, #tpu.memory_space<vmem_shared>> -> memref<100000xi32, #tpu.memory_space<vmem_shared>>
    tpu.enqueue_indirect_dma source(%dma_start3A_35 : memref<100000xi32, #tpu.memory_space<vmem_shared>>) target(%dma_start3A_31 : memref<128xi32, #tpu.memory_space<vmem>>) offsets(%dma_start3A_33 : memref<128xi32, #tpu.memory_space<vmem>>) semaphore(%arg12 : memref<!tpu.dma_semaphore, #tpu.memory_space<semaphore_mem>>)
    %dma_start3A_36 = arith.constant 640 : i32
    %dma_start3A_37 = tpu.memref_slice %arg9[%dma_start3A_36] : memref<3200xi32, #tpu.memory_space<vmem>> -> memref<128xi32, #tpu.memory_space<vmem>>
    %dma_start3A_38 = arith.constant 640 : i32
    %dma_start3A_39 = tpu.memref_slice %arg8[%dma_start3A_38] : memref<3200xi32, #tpu.memory_space<vmem>> -> memref<128xi32, #tpu.memory_space<vmem>>
    %dma_start3A_40 = arith.constant 0 : i32
    %dma_start3A_41 = tpu.memref_slice %arg7[%dma_start3A_40] : memref<100000xi32, #tpu.memory_space<vmem_shared>> -> memref<100000xi32, #tpu.memory_space<vmem_shared>>
    tpu.enqueue_indirect_dma source(%dma_start3A_41 : memref<100000xi32, #tpu.memory_space<vmem_shared>>) target(%dma_start3A_37 : memref<128xi32, #tpu.memory_space<vmem>>) offsets(%dma_start3A_39 : memref<128xi32, #tpu.memory_space<vmem>>) semaphore(%arg12 : memref<!tpu.dma_semaphore, #tpu.memory_space<semaphore_mem>>)
    %dma_start3A_42 = arith.constant 768 : i32
    %dma_start3A_43 = tpu.memref_slice %arg9[%dma_start3A_42] : memref<3200xi32, #tpu.memory_space<vmem>> -> memref<128xi32, #tpu.memory_space<vmem>>
    %dma_start3A_44 = arith.constant 768 : i32
    %dma_start3A_45 = tpu.memref_slice %arg8[%dma_start3A_44] : memref<3200xi32, #tpu.memory_space<vmem>> -> memref<128xi32, #tpu.memory_space<vmem>>
    %dma_start3A_46 = arith.constant 0 : i32
    %dma_start3A_47 = tpu.memref_slice %arg7[%dma_start3A_46] : memref<100000xi32, #tpu.memory_space<vmem_shared>> -> memref<100000xi32, #tpu.memory_space<vmem_shared>>
    tpu.enqueue_indirect_dma source(%dma_start3A_47 : memref<100000xi32, #tpu.memory_space<vmem_shared>>) target(%dma_start3A_43 : memref<128xi32, #tpu.memory_space<vmem>>) offsets(%dma_start3A_45 : memref<128xi32, #tpu.memory_space<vmem>>) semaphore(%arg12 : memref<!tpu.dma_semaphore, #tpu.memory_space<semaphore_mem>>)
    %dma_start3A_48 = arith.constant 896 : i32
    %dma_start3A_49 = tpu.memref_slice %arg9[%dma_start3A_48] : memref<3200xi32, #tpu.memory_space<vmem>> -> memref<128xi32, #tpu.memory_space<vmem>>
    %dma_start3A_50 = arith.constant 896 : i32
    %dma_start3A_51 = tpu.memref_slice %arg8[%dma_start3A_50] : memref<3200xi32, #tpu.memory_space<vmem>> -> memref<128xi32, #tpu.memory_space<vmem>>
    %dma_start3A_52 = arith.constant 0 : i32
    %dma_start3A_53 = tpu.memref_slice %arg7[%dma_start3A_52] : memref<100000xi32, #tpu.memory_space<vmem_shared>> -> memref<100000xi32, #tpu.memory_space<vmem_shared>>
    tpu.enqueue_indirect_dma source(%dma_start3A_53 : memref<100000xi32, #tpu.memory_space<vmem_shared>>) target(%dma_start3A_49 : memref<128xi32, #tpu.memory_space<vmem>>) offsets(%dma_start3A_51 : memref<128xi32, #tpu.memory_space<vmem>>) semaphore(%arg12 : memref<!tpu.dma_semaphore, #tpu.memory_space<semaphore_mem>>)
    %dma_start3A_54 = arith.constant 1024 : i32
    %dma_start3A_55 = tpu.memref_slice %arg9[%dma_start3A_54] : memref<3200xi32, #tpu.memory_space<vmem>> -> memref<128xi32, #tpu.memory_space<vmem>>
    %dma_start3A_56 = arith.constant 1024 : i32
    %dma_start3A_57 = tpu.memref_slice %arg8[%dma_start3A_56] : memref<3200xi32, #tpu.memory_space<vmem>> -> memref<128xi32, #tpu.memory_space<vmem>>
    %dma_start3A_58 = arith.constant 0 : i32
    %dma_start3A_59 = tpu.memref_slice %arg7[%dma_start3A_58] : memref<100000xi32, #tpu.memory_space<vmem_shared>> -> memref<100000xi32, #tpu.memory_space<vmem_shared>>
    tpu.enqueue_indirect_dma source(%dma_start3A_59 : memref<100000xi32, #tpu.memory_space<vmem_shared>>) target(%dma_start3A_55 : memref<128xi32, #tpu.memory_space<vmem>>) offsets(%dma_start3A_57 : memref<128xi32, #tpu.memory_space<vmem>>) semaphore(%arg12 : memref<!tpu.dma_semaphore, #tpu.memory_space<semaphore_mem>>)
    %dma_start3A_60 = arith.constant 1152 : i32
    %dma_start3A_61 = tpu.memref_slice %arg9[%dma_start3A_60] : memref<3200xi32, #tpu.memory_space<vmem>> -> memref<128xi32, #tpu.memory_space<vmem>>
    %dma_start3A_62 = arith.constant 1152 : i32
    %dma_start3A_63 = tpu.memref_slice %arg8[%dma_start3A_62] : memref<3200xi32, #tpu.memory_space<vmem>> -> memref<128xi32, #tpu.memory_space<vmem>>
    %dma_start3A_64 = arith.constant 0 : i32
    %dma_start3A_65 = tpu.memref_slice %arg7[%dma_start3A_64] : memref<100000xi32, #tpu.memory_space<vmem_shared>> -> memref<100000xi32, #tpu.memory_space<vmem_shared>>
    tpu.enqueue_indirect_dma source(%dma_start3A_65 : memref<100000xi32, #tpu.memory_space<vmem_shared>>) target(%dma_start3A_61 : memref<128xi32, #tpu.memory_space<vmem>>) offsets(%dma_start3A_63 : memref<128xi32, #tpu.memory_space<vmem>>) semaphore(%arg12 : memref<!tpu.dma_semaphore, #tpu.memory_space<semaphore_mem>>)
    %dma_start3A_66 = arith.constant 1280 : i32
    %dma_start3A_67 = tpu.memref_slice %arg9[%dma_start3A_66] : memref<3200xi32, #tpu.memory_space<vmem>> -> memref<128xi32, #tpu.memory_space<vmem>>
    %dma_start3A_68 = arith.constant 1280 : i32
    %dma_start3A_69 = tpu.memref_slice %arg8[%dma_start3A_68] : memref<3200xi32, #tpu.memory_space<vmem>> -> memref<128xi32, #tpu.memory_space<vmem>>
    %dma_start3A_70 = arith.constant 0 : i32
    %dma_start3A_71 = tpu.memref_slice %arg7[%dma_start3A_70] : memref<100000xi32, #tpu.memory_space<vmem_shared>> -> memref<100000xi32, #tpu.memory_space<vmem_shared>>
    tpu.enqueue_indirect_dma source(%dma_start3A_71 : memref<100000xi32, #tpu.memory_space<vmem_shared>>) target(%dma_start3A_67 : memref<128xi32, #tpu.memory_space<vmem>>) offsets(%dma_start3A_69 : memref<128xi32, #tpu.memory_space<vmem>>) semaphore(%arg12 : memref<!tpu.dma_semaphore, #tpu.memory_space<semaphore_mem>>)
    %dma_start3A_72 = arith.constant 1408 : i32
    %dma_start3A_73 = tpu.memref_slice %arg9[%dma_start3A_72] : memref<3200xi32, #tpu.memory_space<vmem>> -> memref<128xi32, #tpu.memory_space<vmem>>
    %dma_start3A_74 = arith.constant 1408 : i32
    %dma_start3A_75 = tpu.memref_slice %arg8[%dma_start3A_74] : memref<3200xi32, #tpu.memory_space<vmem>> -> memref<128xi32, #tpu.memory_space<vmem>>
    %dma_start3A_76 = arith.constant 0 : i32
    %dma_start3A_77 = tpu.memref_slice %arg7[%dma_start3A_76] : memref<100000xi32, #tpu.memory_space<vmem_shared>> -> memref<100000xi32, #tpu.memory_space<vmem_shared>>
    tpu.enqueue_indirect_dma source(%dma_start3A_77 : memref<100000xi32, #tpu.memory_space<vmem_shared>>) target(%dma_start3A_73 : memref<128xi32, #tpu.memory_space<vmem>>) offsets(%dma_start3A_75 : memref<128xi32, #tpu.memory_space<vmem>>) semaphore(%arg12 : memref<!tpu.dma_semaphore, #tpu.memory_space<semaphore_mem>>)
    %dma_start3A_78 = arith.constant 1536 : i32
    %dma_start3A_79 = tpu.memref_slice %arg9[%dma_start3A_78] : memref<3200xi32, #tpu.memory_space<vmem>> -> memref<128xi32, #tpu.memory_space<vmem>>
    %dma_start3A_80 = arith.constant 1536 : i32
    %dma_start3A_81 = tpu.memref_slice %arg8[%dma_start3A_80] : memref<3200xi32, #tpu.memory_space<vmem>> -> memref<128xi32, #tpu.memory_space<vmem>>
    %dma_start3A_82 = arith.constant 0 : i32
    %dma_start3A_83 = tpu.memref_slice %arg7[%dma_start3A_82] : memref<100000xi32, #tpu.memory_space<vmem_shared>> -> memref<100000xi32, #tpu.memory_space<vmem_shared>>
    tpu.enqueue_indirect_dma source(%dma_start3A_83 : memref<100000xi32, #tpu.memory_space<vmem_shared>>) target(%dma_start3A_79 : memref<128xi32, #tpu.memory_space<vmem>>) offsets(%dma_start3A_81 : memref<128xi32, #tpu.memory_space<vmem>>) semaphore(%arg12 : memref<!tpu.dma_semaphore, #tpu.memory_space<semaphore_mem>>)
    %dma_start3A_84 = arith.constant 1664 : i32
    %dma_start3A_85 = tpu.memref_slice %arg9[%dma_start3A_84] : memref<3200xi32, #tpu.memory_space<vmem>> -> memref<128xi32, #tpu.memory_space<vmem>>
    %dma_start3A_86 = arith.constant 1664 : i32
    %dma_start3A_87 = tpu.memref_slice %arg8[%dma_start3A_86] : memref<3200xi32, #tpu.memory_space<vmem>> -> memref<128xi32, #tpu.memory_space<vmem>>
    %dma_start3A_88 = arith.constant 0 : i32
    %dma_start3A_89 = tpu.memref_slice %arg7[%dma_start3A_88] : memref<100000xi32, #tpu.memory_space<vmem_shared>> -> memref<100000xi32, #tpu.memory_space<vmem_shared>>
    tpu.enqueue_indirect_dma source(%dma_start3A_89 : memref<100000xi32, #tpu.memory_space<vmem_shared>>) target(%dma_start3A_85 : memref<128xi32, #tpu.memory_space<vmem>>) offsets(%dma_start3A_87 : memref<128xi32, #tpu.memory_space<vmem>>) semaphore(%arg12 : memref<!tpu.dma_semaphore, #tpu.memory_space<semaphore_mem>>)
    %dma_start3A_90 = arith.constant 1792 : i32
    %dma_start3A_91 = tpu.memref_slice %arg9[%dma_start3A_90] : memref<3200xi32, #tpu.memory_space<vmem>> -> memref<128xi32, #tpu.memory_space<vmem>>
    %dma_start3A_92 = arith.constant 1792 : i32
    %dma_start3A_93 = tpu.memref_slice %arg8[%dma_start3A_92] : memref<3200xi32, #tpu.memory_space<vmem>> -> memref<128xi32, #tpu.memory_space<vmem>>
    %dma_start3A_94 = arith.constant 0 : i32
    %dma_start3A_95 = tpu.memref_slice %arg7[%dma_start3A_94] : memref<100000xi32, #tpu.memory_space<vmem_shared>> -> memref<100000xi32, #tpu.memory_space<vmem_shared>>
    tpu.enqueue_indirect_dma source(%dma_start3A_95 : memref<100000xi32, #tpu.memory_space<vmem_shared>>) target(%dma_start3A_91 : memref<128xi32, #tpu.memory_space<vmem>>) offsets(%dma_start3A_93 : memref<128xi32, #tpu.memory_space<vmem>>) semaphore(%arg12 : memref<!tpu.dma_semaphore, #tpu.memory_space<semaphore_mem>>)
    %dma_start3A_96 = arith.constant 1920 : i32
    %dma_start3A_97 = tpu.memref_slice %arg9[%dma_start3A_96] : memref<3200xi32, #tpu.memory_space<vmem>> -> memref<128xi32, #tpu.memory_space<vmem>>
    %dma_start3A_98 = arith.constant 1920 : i32
    %dma_start3A_99 = tpu.memref_slice %arg8[%dma_start3A_98] : memref<3200xi32, #tpu.memory_space<vmem>> -> memref<128xi32, #tpu.memory_space<vmem>>
    %dma_start3A_100 = arith.constant 0 : i32
    %dma_start3A_101 = tpu.memref_slice %arg7[%dma_start3A_100] : memref<100000xi32, #tpu.memory_space<vmem_shared>> -> memref<100000xi32, #tpu.memory_space<vmem_shared>>
    tpu.enqueue_indirect_dma source(%dma_start3A_101 : memref<100000xi32, #tpu.memory_space<vmem_shared>>) target(%dma_start3A_97 : memref<128xi32, #tpu.memory_space<vmem>>) offsets(%dma_start3A_99 : memref<128xi32, #tpu.memory_space<vmem>>) semaphore(%arg12 : memref<!tpu.dma_semaphore, #tpu.memory_space<semaphore_mem>>)
    %dma_start3A_102 = arith.constant 2048 : i32
    %dma_start3A_103 = tpu.memref_slice %arg9[%dma_start3A_102] : memref<3200xi32, #tpu.memory_space<vmem>> -> memref<128xi32, #tpu.memory_space<vmem>>
    %dma_start3A_104 = arith.constant 2048 : i32
    %dma_start3A_105 = tpu.memref_slice %arg8[%dma_start3A_104] : memref<3200xi32, #tpu.memory_space<vmem>> -> memref<128xi32, #tpu.memory_space<vmem>>
    %dma_start3A_106 = arith.constant 0 : i32
    %dma_start3A_107 = tpu.memref_slice %arg7[%dma_start3A_106] : memref<100000xi32, #tpu.memory_space<vmem_shared>> -> memref<100000xi32, #tpu.memory_space<vmem_shared>>
    tpu.enqueue_indirect_dma source(%dma_start3A_107 : memref<100000xi32, #tpu.memory_space<vmem_shared>>) target(%dma_start3A_103 : memref<128xi32, #tpu.memory_space<vmem>>) offsets(%dma_start3A_105 : memref<128xi32, #tpu.memory_space<vmem>>) semaphore(%arg12 : memref<!tpu.dma_semaphore, #tpu.memory_space<semaphore_mem>>)
    %dma_start3A_108 = arith.constant 2176 : i32
    %dma_start3A_109 = tpu.memref_slice %arg9[%dma_start3A_108] : memref<3200xi32, #tpu.memory_space<vmem>> -> memref<128xi32, #tpu.memory_space<vmem>>
    %dma_start3A_110 = arith.constant 2176 : i32
    %dma_start3A_111 = tpu.memref_slice %arg8[%dma_start3A_110] : memref<3200xi32, #tpu.memory_space<vmem>> -> memref<128xi32, #tpu.memory_space<vmem>>
    %dma_start3A_112 = arith.constant 0 : i32
    %dma_start3A_113 = tpu.memref_slice %arg7[%dma_start3A_112] : memref<100000xi32, #tpu.memory_space<vmem_shared>> -> memref<100000xi32, #tpu.memory_space<vmem_shared>>
    tpu.enqueue_indirect_dma source(%dma_start3A_113 : memref<100000xi32, #tpu.memory_space<vmem_shared>>) target(%dma_start3A_109 : memref<128xi32, #tpu.memory_space<vmem>>) offsets(%dma_start3A_111 : memref<128xi32, #tpu.memory_space<vmem>>) semaphore(%arg12 : memref<!tpu.dma_semaphore, #tpu.memory_space<semaphore_mem>>)
    %dma_start3A_114 = arith.constant 2304 : i32
    %dma_start3A_115 = tpu.memref_slice %arg9[%dma_start3A_114] : memref<3200xi32, #tpu.memory_space<vmem>> -> memref<128xi32, #tpu.memory_space<vmem>>
    %dma_start3A_116 = arith.constant 2304 : i32
    %dma_start3A_117 = tpu.memref_slice %arg8[%dma_start3A_116] : memref<3200xi32, #tpu.memory_space<vmem>> -> memref<128xi32, #tpu.memory_space<vmem>>
    %dma_start3A_118 = arith.constant 0 : i32
    %dma_start3A_119 = tpu.memref_slice %arg7[%dma_start3A_118] : memref<100000xi32, #tpu.memory_space<vmem_shared>> -> memref<100000xi32, #tpu.memory_space<vmem_shared>>
    tpu.enqueue_indirect_dma source(%dma_start3A_119 : memref<100000xi32, #tpu.memory_space<vmem_shared>>) target(%dma_start3A_115 : memref<128xi32, #tpu.memory_space<vmem>>) offsets(%dma_start3A_117 : memref<128xi32, #tpu.memory_space<vmem>>) semaphore(%arg12 : memref<!tpu.dma_semaphore, #tpu.memory_space<semaphore_mem>>)
    %dma_start3A_120 = arith.constant 2432 : i32
    %dma_start3A_121 = tpu.memref_slice %arg9[%dma_start3A_120] : memref<3200xi32, #tpu.memory_space<vmem>> -> memref<128xi32, #tpu.memory_space<vmem>>
    %dma_start3A_122 = arith.constant 2432 : i32
    %dma_start3A_123 = tpu.memref_slice %arg8[%dma_start3A_122] : memref<3200xi32, #tpu.memory_space<vmem>> -> memref<128xi32, #tpu.memory_space<vmem>>
    %dma_start3A_124 = arith.constant 0 : i32
    %dma_start3A_125 = tpu.memref_slice %arg7[%dma_start3A_124] : memref<100000xi32, #tpu.memory_space<vmem_shared>> -> memref<100000xi32, #tpu.memory_space<vmem_shared>>
    tpu.enqueue_indirect_dma source(%dma_start3A_125 : memref<100000xi32, #tpu.memory_space<vmem_shared>>) target(%dma_start3A_121 : memref<128xi32, #tpu.memory_space<vmem>>) offsets(%dma_start3A_123 : memref<128xi32, #tpu.memory_space<vmem>>) semaphore(%arg12 : memref<!tpu.dma_semaphore, #tpu.memory_space<semaphore_mem>>)
    %dma_start3A_126 = arith.constant 2560 : i32
    %dma_start3A_127 = tpu.memref_slice %arg9[%dma_start3A_126] : memref<3200xi32, #tpu.memory_space<vmem>> -> memref<128xi32, #tpu.memory_space<vmem>>
    %dma_start3A_128 = arith.constant 2560 : i32
    %dma_start3A_129 = tpu.memref_slice %arg8[%dma_start3A_128] : memref<3200xi32, #tpu.memory_space<vmem>> -> memref<128xi32, #tpu.memory_space<vmem>>
    %dma_start3A_130 = arith.constant 0 : i32
    %dma_start3A_131 = tpu.memref_slice %arg7[%dma_start3A_130] : memref<100000xi32, #tpu.memory_space<vmem_shared>> -> memref<100000xi32, #tpu.memory_space<vmem_shared>>
    tpu.enqueue_indirect_dma source(%dma_start3A_131 : memref<100000xi32, #tpu.memory_space<vmem_shared>>) target(%dma_start3A_127 : memref<128xi32, #tpu.memory_space<vmem>>) offsets(%dma_start3A_129 : memref<128xi32, #tpu.memory_space<vmem>>) semaphore(%arg12 : memref<!tpu.dma_semaphore, #tpu.memory_space<semaphore_mem>>)
    %dma_start3A_132 = arith.constant 2688 : i32
    %dma_start3A_133 = tpu.memref_slice %arg9[%dma_start3A_132] : memref<3200xi32, #tpu.memory_space<vmem>> -> memref<128xi32, #tpu.memory_space<vmem>>
    %dma_start3A_134 = arith.constant 2688 : i32
    %dma_start3A_135 = tpu.memref_slice %arg8[%dma_start3A_134] : memref<3200xi32, #tpu.memory_space<vmem>> -> memref<128xi32, #tpu.memory_space<vmem>>
    %dma_start3A_136 = arith.constant 0 : i32
    %dma_start3A_137 = tpu.memref_slice %arg7[%dma_start3A_136] : memref<100000xi32, #tpu.memory_space<vmem_shared>> -> memref<100000xi32, #tpu.memory_space<vmem_shared>>
    tpu.enqueue_indirect_dma source(%dma_start3A_137 : memref<100000xi32, #tpu.memory_space<vmem_shared>>) target(%dma_start3A_133 : memref<128xi32, #tpu.memory_space<vmem>>) offsets(%dma_start3A_135 : memref<128xi32, #tpu.memory_space<vmem>>) semaphore(%arg12 : memref<!tpu.dma_semaphore, #tpu.memory_space<semaphore_mem>>)
    %dma_start3A_138 = arith.constant 2816 : i32
    %dma_start3A_139 = tpu.memref_slice %arg9[%dma_start3A_138] : memref<3200xi32, #tpu.memory_space<vmem>> -> memref<128xi32, #tpu.memory_space<vmem>>
    %dma_start3A_140 = arith.constant 2816 : i32
    %dma_start3A_141 = tpu.memref_slice %arg8[%dma_start3A_140] : memref<3200xi32, #tpu.memory_space<vmem>> -> memref<128xi32, #tpu.memory_space<vmem>>
    %dma_start3A_142 = arith.constant 0 : i32
    %dma_start3A_143 = tpu.memref_slice %arg7[%dma_start3A_142] : memref<100000xi32, #tpu.memory_space<vmem_shared>> -> memref<100000xi32, #tpu.memory_space<vmem_shared>>
    tpu.enqueue_indirect_dma source(%dma_start3A_143 : memref<100000xi32, #tpu.memory_space<vmem_shared>>) target(%dma_start3A_139 : memref<128xi32, #tpu.memory_space<vmem>>) offsets(%dma_start3A_141 : memref<128xi32, #tpu.memory_space<vmem>>) semaphore(%arg12 : memref<!tpu.dma_semaphore, #tpu.memory_space<semaphore_mem>>)
    %dma_start3A_144 = arith.constant 2944 : i32
    %dma_start3A_145 = tpu.memref_slice %arg9[%dma_start3A_144] : memref<3200xi32, #tpu.memory_space<vmem>> -> memref<128xi32, #tpu.memory_space<vmem>>
    %dma_start3A_146 = arith.constant 2944 : i32
    %dma_start3A_147 = tpu.memref_slice %arg8[%dma_start3A_146] : memref<3200xi32, #tpu.memory_space<vmem>> -> memref<128xi32, #tpu.memory_space<vmem>>
    %dma_start3A_148 = arith.constant 0 : i32
    %dma_start3A_149 = tpu.memref_slice %arg7[%dma_start3A_148] : memref<100000xi32, #tpu.memory_space<vmem_shared>> -> memref<100000xi32, #tpu.memory_space<vmem_shared>>
    tpu.enqueue_indirect_dma source(%dma_start3A_149 : memref<100000xi32, #tpu.memory_space<vmem_shared>>) target(%dma_start3A_145 : memref<128xi32, #tpu.memory_space<vmem>>) offsets(%dma_start3A_147 : memref<128xi32, #tpu.memory_space<vmem>>) semaphore(%arg12 : memref<!tpu.dma_semaphore, #tpu.memory_space<semaphore_mem>>)
    %dma_start3A_150 = arith.constant 3072 : i32
    %dma_start3A_151 = tpu.memref_slice %arg9[%dma_start3A_150] : memref<3200xi32, #tpu.memory_space<vmem>> -> memref<128xi32, #tpu.memory_space<vmem>>
    %dma_start3A_152 = arith.constant 3072 : i32
    %dma_start3A_153 = tpu.memref_slice %arg8[%dma_start3A_152] : memref<3200xi32, #tpu.memory_space<vmem>> -> memref<128xi32, #tpu.memory_space<vmem>>
    %dma_start3A_154 = arith.constant 0 : i32
    %dma_start3A_155 = tpu.memref_slice %arg7[%dma_start3A_154] : memref<100000xi32, #tpu.memory_space<vmem_shared>> -> memref<100000xi32, #tpu.memory_space<vmem_shared>>
    tpu.enqueue_indirect_dma source(%dma_start3A_155 : memref<100000xi32, #tpu.memory_space<vmem_shared>>) target(%dma_start3A_151 : memref<128xi32, #tpu.memory_space<vmem>>) offsets(%dma_start3A_153 : memref<128xi32, #tpu.memory_space<vmem>>) semaphore(%arg12 : memref<!tpu.dma_semaphore, #tpu.memory_space<semaphore_mem>>)
    %dma_start3A_156 = arith.constant 0 : i32
    %dma_start3A_157 = tpu.memref_slice %arg7[%dma_start3A_156] : memref<100000xi32, #tpu.memory_space<vmem_shared>> -> memref<100000xi32, #tpu.memory_space<vmem_shared>>
    tpu.enqueue_indirect_dma source(%dma_start3A_157 : memref<100000xi32, #tpu.memory_space<vmem_shared>>) target(%arg11 : memref<128xi32, #tpu.memory_space<vmem>>) offsets(%arg10 : memref<128xi32, #tpu.memory_space<vmem>>) semaphore(%arg13 : memref<!tpu.dma_semaphore, #tpu.memory_space<semaphore_mem>>)
    %dma_wait3A = arith.constant 0 : i32
    %dma_wait3A_158 = tpu.memref_slice %arg7[%dma_wait3A] : memref<100000xi32, #tpu.memory_space<vmem_shared>> -> memref<100000xi32, #tpu.memory_space<vmem_shared>>
    tpu.wait_indirect_dma semaphore(%arg13 : memref<!tpu.dma_semaphore, #tpu.memory_space<semaphore_mem>>) src(%dma_wait3A_158 : memref<100000xi32, #tpu.memory_space<vmem_shared>>) dst(%arg11 : memref<128xi32, #tpu.memory_space<vmem>>)
    "tpu.region"() ({
      %run_scoped3A = tpu.sem_alloc : memref<!tpu.dma_semaphore, #tpu.memory_space<semaphore_mem>>
      %dma_start3A_309 = tpu.memref_slice %arg6[%mul3A_4] : memref<4096xi32, #tpu.memory_space<hbm>> -> memref<128xi32, #tpu.memory_space<hbm>>
      %dma_start3A_310 = tpu.memref_slice %arg6[%mul3A_4] : memref<4096xi32, #tpu.memory_space<hbm>> -> memref<128xi32, #tpu.memory_space<hbm>>
      tpu.enqueue_dma source(%arg11 : memref<128xi32, #tpu.memory_space<vmem>>) target(%dma_start3A_310 : memref<128xi32, #tpu.memory_space<hbm>>) target_semaphore(%run_scoped3A : memref<!tpu.dma_semaphore, #tpu.memory_space<semaphore_mem>>)
      %dma_wait3A_311 = tpu.memref_slice %arg6[%mul3A_4] : memref<4096xi32, #tpu.memory_space<hbm>> -> memref<128xi32, #tpu.memory_space<hbm>>
      %dma_wait3A_312 = tpu.memref_slice %arg6[%mul3A_4] : memref<4096xi32, #tpu.memory_space<hbm>> -> memref<128xi32, #tpu.memory_space<hbm>>
      tpu.wait_dma2 semaphore(%run_scoped3A : memref<!tpu.dma_semaphore, #tpu.memory_space<semaphore_mem>>) src(%arg11 : memref<128xi32, #tpu.memory_space<vmem>>) dst(%dma_wait3A_312 : memref<128xi32, #tpu.memory_space<hbm>>)
      tpu.yield
    }) : () -> ()
    %dma_wait3A_159 = arith.constant 0 : i32
    %dma_wait3A_160 = tpu.memref_slice %arg9[%dma_wait3A_159] : memref<3200xi32, #tpu.memory_space<vmem>> -> memref<128xi32, #tpu.memory_space<vmem>>
    %dma_wait3A_161 = arith.constant 0 : i32
    %dma_wait3A_162 = tpu.memref_slice %arg8[%dma_wait3A_161] : memref<3200xi32, #tpu.memory_space<vmem>> -> memref<128xi32, #tpu.memory_space<vmem>>
    %dma_wait3A_163 = arith.constant 0 : i32
    %dma_wait3A_164 = tpu.memref_slice %arg7[%dma_wait3A_163] : memref<100000xi32, #tpu.memory_space<vmem_shared>> -> memref<100000xi32, #tpu.memory_space<vmem_shared>>
    tpu.wait_indirect_dma semaphore(%arg12 : memref<!tpu.dma_semaphore, #tpu.memory_space<semaphore_mem>>) src(%dma_wait3A_164 : memref<100000xi32, #tpu.memory_space<vmem_shared>>) dst(%dma_wait3A_160 : memref<128xi32, #tpu.memory_space<vmem>>)
    %dma_wait3A_165 = arith.constant 128 : i32
    %dma_wait3A_166 = tpu.memref_slice %arg9[%dma_wait3A_165] : memref<3200xi32, #tpu.memory_space<vmem>> -> memref<128xi32, #tpu.memory_space<vmem>>
    %dma_wait3A_167 = arith.constant 128 : i32
    %dma_wait3A_168 = tpu.memref_slice %arg8[%dma_wait3A_167] : memref<3200xi32, #tpu.memory_space<vmem>> -> memref<128xi32, #tpu.memory_space<vmem>>
    %dma_wait3A_169 = arith.constant 0 : i32
    %dma_wait3A_170 = tpu.memref_slice %arg7[%dma_wait3A_169] : memref<100000xi32, #tpu.memory_space<vmem_shared>> -> memref<100000xi32, #tpu.memory_space<vmem_shared>>
    tpu.wait_indirect_dma semaphore(%arg12 : memref<!tpu.dma_semaphore, #tpu.memory_space<semaphore_mem>>) src(%dma_wait3A_170 : memref<100000xi32, #tpu.memory_space<vmem_shared>>) dst(%dma_wait3A_166 : memref<128xi32, #tpu.memory_space<vmem>>)
    %dma_wait3A_171 = arith.constant 256 : i32
    %dma_wait3A_172 = tpu.memref_slice %arg9[%dma_wait3A_171] : memref<3200xi32, #tpu.memory_space<vmem>> -> memref<128xi32, #tpu.memory_space<vmem>>
    %dma_wait3A_173 = arith.constant 256 : i32
    %dma_wait3A_174 = tpu.memref_slice %arg8[%dma_wait3A_173] : memref<3200xi32, #tpu.memory_space<vmem>> -> memref<128xi32, #tpu.memory_space<vmem>>
    %dma_wait3A_175 = arith.constant 0 : i32
    %dma_wait3A_176 = tpu.memref_slice %arg7[%dma_wait3A_175] : memref<100000xi32, #tpu.memory_space<vmem_shared>> -> memref<100000xi32, #tpu.memory_space<vmem_shared>>
    tpu.wait_indirect_dma semaphore(%arg12 : memref<!tpu.dma_semaphore, #tpu.memory_space<semaphore_mem>>) src(%dma_wait3A_176 : memref<100000xi32, #tpu.memory_space<vmem_shared>>) dst(%dma_wait3A_172 : memref<128xi32, #tpu.memory_space<vmem>>)
    %dma_wait3A_177 = arith.constant 384 : i32
    %dma_wait3A_178 = tpu.memref_slice %arg9[%dma_wait3A_177] : memref<3200xi32, #tpu.memory_space<vmem>> -> memref<128xi32, #tpu.memory_space<vmem>>
    %dma_wait3A_179 = arith.constant 384 : i32
    %dma_wait3A_180 = tpu.memref_slice %arg8[%dma_wait3A_179] : memref<3200xi32, #tpu.memory_space<vmem>> -> memref<128xi32, #tpu.memory_space<vmem>>
    %dma_wait3A_181 = arith.constant 0 : i32
    %dma_wait3A_182 = tpu.memref_slice %arg7[%dma_wait3A_181] : memref<100000xi32, #tpu.memory_space<vmem_shared>> -> memref<100000xi32, #tpu.memory_space<vmem_shared>>
    tpu.wait_indirect_dma semaphore(%arg12 : memref<!tpu.dma_semaphore, #tpu.memory_space<semaphore_mem>>) src(%dma_wait3A_182 : memref<100000xi32, #tpu.memory_space<vmem_shared>>) dst(%dma_wait3A_178 : memref<128xi32, #tpu.memory_space<vmem>>)
    %dma_wait3A_183 = arith.constant 512 : i32
    %dma_wait3A_184 = tpu.memref_slice %arg9[%dma_wait3A_183] : memref<3200xi32, #tpu.memory_space<vmem>> -> memref<128xi32, #tpu.memory_space<vmem>>
    %dma_wait3A_185 = arith.constant 512 : i32
    %dma_wait3A_186 = tpu.memref_slice %arg8[%dma_wait3A_185] : memref<3200xi32, #tpu.memory_space<vmem>> -> memref<128xi32, #tpu.memory_space<vmem>>
    %dma_wait3A_187 = arith.constant 0 : i32
    %dma_wait3A_188 = tpu.memref_slice %arg7[%dma_wait3A_187] : memref<100000xi32, #tpu.memory_space<vmem_shared>> -> memref<100000xi32, #tpu.memory_space<vmem_shared>>
    tpu.wait_indirect_dma semaphore(%arg12 : memref<!tpu.dma_semaphore, #tpu.memory_space<semaphore_mem>>) src(%dma_wait3A_188 : memref<100000xi32, #tpu.memory_space<vmem_shared>>) dst(%dma_wait3A_184 : memref<128xi32, #tpu.memory_space<vmem>>)
    %dma_wait3A_189 = arith.constant 640 : i32
    %dma_wait3A_190 = tpu.memref_slice %arg9[%dma_wait3A_189] : memref<3200xi32, #tpu.memory_space<vmem>> -> memref<128xi32, #tpu.memory_space<vmem>>
    %dma_wait3A_191 = arith.constant 640 : i32
    %dma_wait3A_192 = tpu.memref_slice %arg8[%dma_wait3A_191] : memref<3200xi32, #tpu.memory_space<vmem>> -> memref<128xi32, #tpu.memory_space<vmem>>
    %dma_wait3A_193 = arith.constant 0 : i32
    %dma_wait3A_194 = tpu.memref_slice %arg7[%dma_wait3A_193] : memref<100000xi32, #tpu.memory_space<vmem_shared>> -> memref<100000xi32, #tpu.memory_space<vmem_shared>>
    tpu.wait_indirect_dma semaphore(%arg12 : memref<!tpu.dma_semaphore, #tpu.memory_space<semaphore_mem>>) src(%dma_wait3A_194 : memref<100000xi32, #tpu.memory_space<vmem_shared>>) dst(%dma_wait3A_190 : memref<128xi32, #tpu.memory_space<vmem>>)
    %dma_wait3A_195 = arith.constant 768 : i32
    %dma_wait3A_196 = tpu.memref_slice %arg9[%dma_wait3A_195] : memref<3200xi32, #tpu.memory_space<vmem>> -> memref<128xi32, #tpu.memory_space<vmem>>
    %dma_wait3A_197 = arith.constant 768 : i32
    %dma_wait3A_198 = tpu.memref_slice %arg8[%dma_wait3A_197] : memref<3200xi32, #tpu.memory_space<vmem>> -> memref<128xi32, #tpu.memory_space<vmem>>
    %dma_wait3A_199 = arith.constant 0 : i32
    %dma_wait3A_200 = tpu.memref_slice %arg7[%dma_wait3A_199] : memref<100000xi32, #tpu.memory_space<vmem_shared>> -> memref<100000xi32, #tpu.memory_space<vmem_shared>>
    tpu.wait_indirect_dma semaphore(%arg12 : memref<!tpu.dma_semaphore, #tpu.memory_space<semaphore_mem>>) src(%dma_wait3A_200 : memref<100000xi32, #tpu.memory_space<vmem_shared>>) dst(%dma_wait3A_196 : memref<128xi32, #tpu.memory_space<vmem>>)
    %dma_wait3A_201 = arith.constant 896 : i32
    %dma_wait3A_202 = tpu.memref_slice %arg9[%dma_wait3A_201] : memref<3200xi32, #tpu.memory_space<vmem>> -> memref<128xi32, #tpu.memory_space<vmem>>
    %dma_wait3A_203 = arith.constant 896 : i32
    %dma_wait3A_204 = tpu.memref_slice %arg8[%dma_wait3A_203] : memref<3200xi32, #tpu.memory_space<vmem>> -> memref<128xi32, #tpu.memory_space<vmem>>
    %dma_wait3A_205 = arith.constant 0 : i32
    %dma_wait3A_206 = tpu.memref_slice %arg7[%dma_wait3A_205] : memref<100000xi32, #tpu.memory_space<vmem_shared>> -> memref<100000xi32, #tpu.memory_space<vmem_shared>>
    tpu.wait_indirect_dma semaphore(%arg12 : memref<!tpu.dma_semaphore, #tpu.memory_space<semaphore_mem>>) src(%dma_wait3A_206 : memref<100000xi32, #tpu.memory_space<vmem_shared>>) dst(%dma_wait3A_202 : memref<128xi32, #tpu.memory_space<vmem>>)
    %dma_wait3A_207 = arith.constant 1024 : i32
    %dma_wait3A_208 = tpu.memref_slice %arg9[%dma_wait3A_207] : memref<3200xi32, #tpu.memory_space<vmem>> -> memref<128xi32, #tpu.memory_space<vmem>>
    %dma_wait3A_209 = arith.constant 1024 : i32
    %dma_wait3A_210 = tpu.memref_slice %arg8[%dma_wait3A_209] : memref<3200xi32, #tpu.memory_space<vmem>> -> memref<128xi32, #tpu.memory_space<vmem>>
    %dma_wait3A_211 = arith.constant 0 : i32
    %dma_wait3A_212 = tpu.memref_slice %arg7[%dma_wait3A_211] : memref<100000xi32, #tpu.memory_space<vmem_shared>> -> memref<100000xi32, #tpu.memory_space<vmem_shared>>
    tpu.wait_indirect_dma semaphore(%arg12 : memref<!tpu.dma_semaphore, #tpu.memory_space<semaphore_mem>>) src(%dma_wait3A_212 : memref<100000xi32, #tpu.memory_space<vmem_shared>>) dst(%dma_wait3A_208 : memref<128xi32, #tpu.memory_space<vmem>>)
    %dma_wait3A_213 = arith.constant 1152 : i32
    %dma_wait3A_214 = tpu.memref_slice %arg9[%dma_wait3A_213] : memref<3200xi32, #tpu.memory_space<vmem>> -> memref<128xi32, #tpu.memory_space<vmem>>
    %dma_wait3A_215 = arith.constant 1152 : i32
    %dma_wait3A_216 = tpu.memref_slice %arg8[%dma_wait3A_215] : memref<3200xi32, #tpu.memory_space<vmem>> -> memref<128xi32, #tpu.memory_space<vmem>>
    %dma_wait3A_217 = arith.constant 0 : i32
    %dma_wait3A_218 = tpu.memref_slice %arg7[%dma_wait3A_217] : memref<100000xi32, #tpu.memory_space<vmem_shared>> -> memref<100000xi32, #tpu.memory_space<vmem_shared>>
    tpu.wait_indirect_dma semaphore(%arg12 : memref<!tpu.dma_semaphore, #tpu.memory_space<semaphore_mem>>) src(%dma_wait3A_218 : memref<100000xi32, #tpu.memory_space<vmem_shared>>) dst(%dma_wait3A_214 : memref<128xi32, #tpu.memory_space<vmem>>)
    %dma_wait3A_219 = arith.constant 1280 : i32
    %dma_wait3A_220 = tpu.memref_slice %arg9[%dma_wait3A_219] : memref<3200xi32, #tpu.memory_space<vmem>> -> memref<128xi32, #tpu.memory_space<vmem>>
    %dma_wait3A_221 = arith.constant 1280 : i32
    %dma_wait3A_222 = tpu.memref_slice %arg8[%dma_wait3A_221] : memref<3200xi32, #tpu.memory_space<vmem>> -> memref<128xi32, #tpu.memory_space<vmem>>
    %dma_wait3A_223 = arith.constant 0 : i32
    %dma_wait3A_224 = tpu.memref_slice %arg7[%dma_wait3A_223] : memref<100000xi32, #tpu.memory_space<vmem_shared>> -> memref<100000xi32, #tpu.memory_space<vmem_shared>>
    tpu.wait_indirect_dma semaphore(%arg12 : memref<!tpu.dma_semaphore, #tpu.memory_space<semaphore_mem>>) src(%dma_wait3A_224 : memref<100000xi32, #tpu.memory_space<vmem_shared>>) dst(%dma_wait3A_220 : memref<128xi32, #tpu.memory_space<vmem>>)
    %dma_wait3A_225 = arith.constant 1408 : i32
    %dma_wait3A_226 = tpu.memref_slice %arg9[%dma_wait3A_225] : memref<3200xi32, #tpu.memory_space<vmem>> -> memref<128xi32, #tpu.memory_space<vmem>>
    %dma_wait3A_227 = arith.constant 1408 : i32
    %dma_wait3A_228 = tpu.memref_slice %arg8[%dma_wait3A_227] : memref<3200xi32, #tpu.memory_space<vmem>> -> memref<128xi32, #tpu.memory_space<vmem>>
    %dma_wait3A_229 = arith.constant 0 : i32
    %dma_wait3A_230 = tpu.memref_slice %arg7[%dma_wait3A_229] : memref<100000xi32, #tpu.memory_space<vmem_shared>> -> memref<100000xi32, #tpu.memory_space<vmem_shared>>
    tpu.wait_indirect_dma semaphore(%arg12 : memref<!tpu.dma_semaphore, #tpu.memory_space<semaphore_mem>>) src(%dma_wait3A_230 : memref<100000xi32, #tpu.memory_space<vmem_shared>>) dst(%dma_wait3A_226 : memref<128xi32, #tpu.memory_space<vmem>>)
    %dma_wait3A_231 = arith.constant 1536 : i32
    %dma_wait3A_232 = tpu.memref_slice %arg9[%dma_wait3A_231] : memref<3200xi32, #tpu.memory_space<vmem>> -> memref<128xi32, #tpu.memory_space<vmem>>
    %dma_wait3A_233 = arith.constant 1536 : i32
    %dma_wait3A_234 = tpu.memref_slice %arg8[%dma_wait3A_233] : memref<3200xi32, #tpu.memory_space<vmem>> -> memref<128xi32, #tpu.memory_space<vmem>>
    %dma_wait3A_235 = arith.constant 0 : i32
    %dma_wait3A_236 = tpu.memref_slice %arg7[%dma_wait3A_235] : memref<100000xi32, #tpu.memory_space<vmem_shared>> -> memref<100000xi32, #tpu.memory_space<vmem_shared>>
    tpu.wait_indirect_dma semaphore(%arg12 : memref<!tpu.dma_semaphore, #tpu.memory_space<semaphore_mem>>) src(%dma_wait3A_236 : memref<100000xi32, #tpu.memory_space<vmem_shared>>) dst(%dma_wait3A_232 : memref<128xi32, #tpu.memory_space<vmem>>)
    %dma_wait3A_237 = arith.constant 1664 : i32
    %dma_wait3A_238 = tpu.memref_slice %arg9[%dma_wait3A_237] : memref<3200xi32, #tpu.memory_space<vmem>> -> memref<128xi32, #tpu.memory_space<vmem>>
    %dma_wait3A_239 = arith.constant 1664 : i32
    %dma_wait3A_240 = tpu.memref_slice %arg8[%dma_wait3A_239] : memref<3200xi32, #tpu.memory_space<vmem>> -> memref<128xi32, #tpu.memory_space<vmem>>
    %dma_wait3A_241 = arith.constant 0 : i32
    %dma_wait3A_242 = tpu.memref_slice %arg7[%dma_wait3A_241] : memref<100000xi32, #tpu.memory_space<vmem_shared>> -> memref<100000xi32, #tpu.memory_space<vmem_shared>>
    tpu.wait_indirect_dma semaphore(%arg12 : memref<!tpu.dma_semaphore, #tpu.memory_space<semaphore_mem>>) src(%dma_wait3A_242 : memref<100000xi32, #tpu.memory_space<vmem_shared>>) dst(%dma_wait3A_238 : memref<128xi32, #tpu.memory_space<vmem>>)
    %dma_wait3A_243 = arith.constant 1792 : i32
    %dma_wait3A_244 = tpu.memref_slice %arg9[%dma_wait3A_243] : memref<3200xi32, #tpu.memory_space<vmem>> -> memref<128xi32, #tpu.memory_space<vmem>>
    %dma_wait3A_245 = arith.constant 1792 : i32
    %dma_wait3A_246 = tpu.memref_slice %arg8[%dma_wait3A_245] : memref<3200xi32, #tpu.memory_space<vmem>> -> memref<128xi32, #tpu.memory_space<vmem>>
    %dma_wait3A_247 = arith.constant 0 : i32
    %dma_wait3A_248 = tpu.memref_slice %arg7[%dma_wait3A_247] : memref<100000xi32, #tpu.memory_space<vmem_shared>> -> memref<100000xi32, #tpu.memory_space<vmem_shared>>
    tpu.wait_indirect_dma semaphore(%arg12 : memref<!tpu.dma_semaphore, #tpu.memory_space<semaphore_mem>>) src(%dma_wait3A_248 : memref<100000xi32, #tpu.memory_space<vmem_shared>>) dst(%dma_wait3A_244 : memref<128xi32, #tpu.memory_space<vmem>>)
    %dma_wait3A_249 = arith.constant 1920 : i32
    %dma_wait3A_250 = tpu.memref_slice %arg9[%dma_wait3A_249] : memref<3200xi32, #tpu.memory_space<vmem>> -> memref<128xi32, #tpu.memory_space<vmem>>
    %dma_wait3A_251 = arith.constant 1920 : i32
    %dma_wait3A_252 = tpu.memref_slice %arg8[%dma_wait3A_251] : memref<3200xi32, #tpu.memory_space<vmem>> -> memref<128xi32, #tpu.memory_space<vmem>>
    %dma_wait3A_253 = arith.constant 0 : i32
    %dma_wait3A_254 = tpu.memref_slice %arg7[%dma_wait3A_253] : memref<100000xi32, #tpu.memory_space<vmem_shared>> -> memref<100000xi32, #tpu.memory_space<vmem_shared>>
    tpu.wait_indirect_dma semaphore(%arg12 : memref<!tpu.dma_semaphore, #tpu.memory_space<semaphore_mem>>) src(%dma_wait3A_254 : memref<100000xi32, #tpu.memory_space<vmem_shared>>) dst(%dma_wait3A_250 : memref<128xi32, #tpu.memory_space<vmem>>)
    %dma_wait3A_255 = arith.constant 2048 : i32
    %dma_wait3A_256 = tpu.memref_slice %arg9[%dma_wait3A_255] : memref<3200xi32, #tpu.memory_space<vmem>> -> memref<128xi32, #tpu.memory_space<vmem>>
    %dma_wait3A_257 = arith.constant 2048 : i32
    %dma_wait3A_258 = tpu.memref_slice %arg8[%dma_wait3A_257] : memref<3200xi32, #tpu.memory_space<vmem>> -> memref<128xi32, #tpu.memory_space<vmem>>
    %dma_wait3A_259 = arith.constant 0 : i32
    %dma_wait3A_260 = tpu.memref_slice %arg7[%dma_wait3A_259] : memref<100000xi32, #tpu.memory_space<vmem_shared>> -> memref<100000xi32, #tpu.memory_space<vmem_shared>>
    tpu.wait_indirect_dma semaphore(%arg12 : memref<!tpu.dma_semaphore, #tpu.memory_space<semaphore_mem>>) src(%dma_wait3A_260 : memref<100000xi32, #tpu.memory_space<vmem_shared>>) dst(%dma_wait3A_256 : memref<128xi32, #tpu.memory_space<vmem>>)
    %dma_wait3A_261 = arith.constant 2176 : i32
    %dma_wait3A_262 = tpu.memref_slice %arg9[%dma_wait3A_261] : memref<3200xi32, #tpu.memory_space<vmem>> -> memref<128xi32, #tpu.memory_space<vmem>>
    %dma_wait3A_263 = arith.constant 2176 : i32
    %dma_wait3A_264 = tpu.memref_slice %arg8[%dma_wait3A_263] : memref<3200xi32, #tpu.memory_space<vmem>> -> memref<128xi32, #tpu.memory_space<vmem>>
    %dma_wait3A_265 = arith.constant 0 : i32
    %dma_wait3A_266 = tpu.memref_slice %arg7[%dma_wait3A_265] : memref<100000xi32, #tpu.memory_space<vmem_shared>> -> memref<100000xi32, #tpu.memory_space<vmem_shared>>
    tpu.wait_indirect_dma semaphore(%arg12 : memref<!tpu.dma_semaphore, #tpu.memory_space<semaphore_mem>>) src(%dma_wait3A_266 : memref<100000xi32, #tpu.memory_space<vmem_shared>>) dst(%dma_wait3A_262 : memref<128xi32, #tpu.memory_space<vmem>>)
    %dma_wait3A_267 = arith.constant 2304 : i32
    %dma_wait3A_268 = tpu.memref_slice %arg9[%dma_wait3A_267] : memref<3200xi32, #tpu.memory_space<vmem>> -> memref<128xi32, #tpu.memory_space<vmem>>
    %dma_wait3A_269 = arith.constant 2304 : i32
    %dma_wait3A_270 = tpu.memref_slice %arg8[%dma_wait3A_269] : memref<3200xi32, #tpu.memory_space<vmem>> -> memref<128xi32, #tpu.memory_space<vmem>>
    %dma_wait3A_271 = arith.constant 0 : i32
    %dma_wait3A_272 = tpu.memref_slice %arg7[%dma_wait3A_271] : memref<100000xi32, #tpu.memory_space<vmem_shared>> -> memref<100000xi32, #tpu.memory_space<vmem_shared>>
    tpu.wait_indirect_dma semaphore(%arg12 : memref<!tpu.dma_semaphore, #tpu.memory_space<semaphore_mem>>) src(%dma_wait3A_272 : memref<100000xi32, #tpu.memory_space<vmem_shared>>) dst(%dma_wait3A_268 : memref<128xi32, #tpu.memory_space<vmem>>)
    %dma_wait3A_273 = arith.constant 2432 : i32
    %dma_wait3A_274 = tpu.memref_slice %arg9[%dma_wait3A_273] : memref<3200xi32, #tpu.memory_space<vmem>> -> memref<128xi32, #tpu.memory_space<vmem>>
    %dma_wait3A_275 = arith.constant 2432 : i32
    %dma_wait3A_276 = tpu.memref_slice %arg8[%dma_wait3A_275] : memref<3200xi32, #tpu.memory_space<vmem>> -> memref<128xi32, #tpu.memory_space<vmem>>
    %dma_wait3A_277 = arith.constant 0 : i32
    %dma_wait3A_278 = tpu.memref_slice %arg7[%dma_wait3A_277] : memref<100000xi32, #tpu.memory_space<vmem_shared>> -> memref<100000xi32, #tpu.memory_space<vmem_shared>>
    tpu.wait_indirect_dma semaphore(%arg12 : memref<!tpu.dma_semaphore, #tpu.memory_space<semaphore_mem>>) src(%dma_wait3A_278 : memref<100000xi32, #tpu.memory_space<vmem_shared>>) dst(%dma_wait3A_274 : memref<128xi32, #tpu.memory_space<vmem>>)
    %dma_wait3A_279 = arith.constant 2560 : i32
    %dma_wait3A_280 = tpu.memref_slice %arg9[%dma_wait3A_279] : memref<3200xi32, #tpu.memory_space<vmem>> -> memref<128xi32, #tpu.memory_space<vmem>>
    %dma_wait3A_281 = arith.constant 2560 : i32
    %dma_wait3A_282 = tpu.memref_slice %arg8[%dma_wait3A_281] : memref<3200xi32, #tpu.memory_space<vmem>> -> memref<128xi32, #tpu.memory_space<vmem>>
    %dma_wait3A_283 = arith.constant 0 : i32
    %dma_wait3A_284 = tpu.memref_slice %arg7[%dma_wait3A_283] : memref<100000xi32, #tpu.memory_space<vmem_shared>> -> memref<100000xi32, #tpu.memory_space<vmem_shared>>
    tpu.wait_indirect_dma semaphore(%arg12 : memref<!tpu.dma_semaphore, #tpu.memory_space<semaphore_mem>>) src(%dma_wait3A_284 : memref<100000xi32, #tpu.memory_space<vmem_shared>>) dst(%dma_wait3A_280 : memref<128xi32, #tpu.memory_space<vmem>>)
    %dma_wait3A_285 = arith.constant 2688 : i32
    %dma_wait3A_286 = tpu.memref_slice %arg9[%dma_wait3A_285] : memref<3200xi32, #tpu.memory_space<vmem>> -> memref<128xi32, #tpu.memory_space<vmem>>
    %dma_wait3A_287 = arith.constant 2688 : i32
    %dma_wait3A_288 = tpu.memref_slice %arg8[%dma_wait3A_287] : memref<3200xi32, #tpu.memory_space<vmem>> -> memref<128xi32, #tpu.memory_space<vmem>>
    %dma_wait3A_289 = arith.constant 0 : i32
    %dma_wait3A_290 = tpu.memref_slice %arg7[%dma_wait3A_289] : memref<100000xi32, #tpu.memory_space<vmem_shared>> -> memref<100000xi32, #tpu.memory_space<vmem_shared>>
    tpu.wait_indirect_dma semaphore(%arg12 : memref<!tpu.dma_semaphore, #tpu.memory_space<semaphore_mem>>) src(%dma_wait3A_290 : memref<100000xi32, #tpu.memory_space<vmem_shared>>) dst(%dma_wait3A_286 : memref<128xi32, #tpu.memory_space<vmem>>)
    %dma_wait3A_291 = arith.constant 2816 : i32
    %dma_wait3A_292 = tpu.memref_slice %arg9[%dma_wait3A_291] : memref<3200xi32, #tpu.memory_space<vmem>> -> memref<128xi32, #tpu.memory_space<vmem>>
    %dma_wait3A_293 = arith.constant 2816 : i32
    %dma_wait3A_294 = tpu.memref_slice %arg8[%dma_wait3A_293] : memref<3200xi32, #tpu.memory_space<vmem>> -> memref<128xi32, #tpu.memory_space<vmem>>
    %dma_wait3A_295 = arith.constant 0 : i32
    %dma_wait3A_296 = tpu.memref_slice %arg7[%dma_wait3A_295] : memref<100000xi32, #tpu.memory_space<vmem_shared>> -> memref<100000xi32, #tpu.memory_space<vmem_shared>>
    tpu.wait_indirect_dma semaphore(%arg12 : memref<!tpu.dma_semaphore, #tpu.memory_space<semaphore_mem>>) src(%dma_wait3A_296 : memref<100000xi32, #tpu.memory_space<vmem_shared>>) dst(%dma_wait3A_292 : memref<128xi32, #tpu.memory_space<vmem>>)
    %dma_wait3A_297 = arith.constant 2944 : i32
    %dma_wait3A_298 = tpu.memref_slice %arg9[%dma_wait3A_297] : memref<3200xi32, #tpu.memory_space<vmem>> -> memref<128xi32, #tpu.memory_space<vmem>>
    %dma_wait3A_299 = arith.constant 2944 : i32
    %dma_wait3A_300 = tpu.memref_slice %arg8[%dma_wait3A_299] : memref<3200xi32, #tpu.memory_space<vmem>> -> memref<128xi32, #tpu.memory_space<vmem>>
    %dma_wait3A_301 = arith.constant 0 : i32
    %dma_wait3A_302 = tpu.memref_slice %arg7[%dma_wait3A_301] : memref<100000xi32, #tpu.memory_space<vmem_shared>> -> memref<100000xi32, #tpu.memory_space<vmem_shared>>
    tpu.wait_indirect_dma semaphore(%arg12 : memref<!tpu.dma_semaphore, #tpu.memory_space<semaphore_mem>>) src(%dma_wait3A_302 : memref<100000xi32, #tpu.memory_space<vmem_shared>>) dst(%dma_wait3A_298 : memref<128xi32, #tpu.memory_space<vmem>>)
    %dma_wait3A_303 = arith.constant 3072 : i32
    %dma_wait3A_304 = tpu.memref_slice %arg9[%dma_wait3A_303] : memref<3200xi32, #tpu.memory_space<vmem>> -> memref<128xi32, #tpu.memory_space<vmem>>
    %dma_wait3A_305 = arith.constant 3072 : i32
    %dma_wait3A_306 = tpu.memref_slice %arg8[%dma_wait3A_305] : memref<3200xi32, #tpu.memory_space<vmem>> -> memref<128xi32, #tpu.memory_space<vmem>>
    %dma_wait3A_307 = arith.constant 0 : i32
    %dma_wait3A_308 = tpu.memref_slice %arg7[%dma_wait3A_307] : memref<100000xi32, #tpu.memory_space<vmem_shared>> -> memref<100000xi32, #tpu.memory_space<vmem_shared>>
    tpu.wait_indirect_dma semaphore(%arg12 : memref<!tpu.dma_semaphore, #tpu.memory_space<semaphore_mem>>) src(%dma_wait3A_308 : memref<100000xi32, #tpu.memory_space<vmem_shared>>) dst(%dma_wait3A_304 : memref<128xi32, #tpu.memory_space<vmem>>)
    "tpu.region"() ({
      %run_scoped3A = tpu.sem_alloc : memref<!tpu.dma_semaphore, #tpu.memory_space<semaphore_mem>>
      %dma_start3A_309 = tpu.memref_slice %arg5[%mul3A_2] : memref<102400xi32, #tpu.memory_space<hbm>> -> memref<3200xi32, #tpu.memory_space<hbm>>
      %dma_start3A_310 = tpu.memref_slice %arg5[%mul3A_2] : memref<102400xi32, #tpu.memory_space<hbm>> -> memref<3200xi32, #tpu.memory_space<hbm>>
      tpu.enqueue_dma source(%arg9 : memref<3200xi32, #tpu.memory_space<vmem>>) target(%dma_start3A_310 : memref<3200xi32, #tpu.memory_space<hbm>>) target_semaphore(%run_scoped3A : memref<!tpu.dma_semaphore, #tpu.memory_space<semaphore_mem>>)
      %dma_wait3A_311 = tpu.memref_slice %arg5[%mul3A_2] : memref<102400xi32, #tpu.memory_space<hbm>> -> memref<3200xi32, #tpu.memory_space<hbm>>
      %dma_wait3A_312 = tpu.memref_slice %arg5[%mul3A_2] : memref<102400xi32, #tpu.memory_space<hbm>> -> memref<3200xi32, #tpu.memory_space<hbm>>
      tpu.wait_dma2 semaphore(%run_scoped3A : memref<!tpu.dma_semaphore, #tpu.memory_space<semaphore_mem>>) src(%arg9 : memref<3200xi32, #tpu.memory_space<vmem>>) dst(%dma_wait3A_312 : memref<3200xi32, #tpu.memory_space<hbm>>)
      tpu.yield
    }) : () -> ()
    return
  }
}

#map = affine_map<(d0, d1) -> (0, 0)>
#map1 = affine_map<(d0, d1) -> (0)>
module attributes {stable_mosaic.version = 14 : i64} {
  func.func @_row_gather(%arg0: i32, %arg1: i32, %arg2: memref<100000x64xf32, #tpu.memory_space<hbm>>, %arg3: memref<4096xi32, #tpu.memory_space<hbm>>, %arg4: memref<4096x64xf32, #tpu.memory_space<hbm>>, %arg5: memref<128xi32, #tpu.memory_space<vmem>>, %arg6: memref<128x64xf32, #tpu.memory_space<vmem>>, %arg7: memref<!tpu.dma_semaphore, #tpu.memory_space<semaphore_mem>>) attributes {dimension_semantics = [#tpu.dimension_semantics<core_parallel>, #tpu.dimension_semantics<subcore_parallel>], iteration_bounds = array<i64: 2, 16>, scalar_prefetch = 0 : i64, scratch_operands = 3 : i64, tpu.core_type = #tpu.core_type<sc_vector_subcore>, window_params = [{transform_indices = #map}, {transform_indices = #map1}, {transform_indices = #map}]} {
    %mul3A = arith.constant 2 : i32
    %mul3A_0 = arith.muli %arg1, %mul3A : i32
    %add3A = arith.addi %mul3A_0, %arg0 : i32
    %mul3A_1 = arith.constant 128 : i32
    %mul3A_2 = arith.muli %add3A, %mul3A_1 : i32
    "tpu.region"() ({
      %run_scoped3A = tpu.sem_alloc : memref<!tpu.dma_semaphore, #tpu.memory_space<semaphore_mem>>
      %dma_start3A_7 = tpu.memref_slice %arg3[%mul3A_2] : memref<4096xi32, #tpu.memory_space<hbm>> -> memref<128xi32, #tpu.memory_space<hbm>>
      %dma_start3A_8 = tpu.memref_slice %arg3[%mul3A_2] : memref<4096xi32, #tpu.memory_space<hbm>> -> memref<128xi32, #tpu.memory_space<hbm>>
      tpu.enqueue_dma source(%dma_start3A_8 : memref<128xi32, #tpu.memory_space<hbm>>) target(%arg5 : memref<128xi32, #tpu.memory_space<vmem>>) target_semaphore(%run_scoped3A : memref<!tpu.dma_semaphore, #tpu.memory_space<semaphore_mem>>)
      %dma_wait3A_9 = tpu.memref_slice %arg3[%mul3A_2] : memref<4096xi32, #tpu.memory_space<hbm>> -> memref<128xi32, #tpu.memory_space<hbm>>
      %dma_wait3A_10 = tpu.memref_slice %arg3[%mul3A_2] : memref<4096xi32, #tpu.memory_space<hbm>> -> memref<128xi32, #tpu.memory_space<hbm>>
      tpu.wait_dma2 semaphore(%run_scoped3A : memref<!tpu.dma_semaphore, #tpu.memory_space<semaphore_mem>>) src(%dma_wait3A_10 : memref<128xi32, #tpu.memory_space<hbm>>) dst(%arg5 : memref<128xi32, #tpu.memory_space<vmem>>)
      tpu.yield
    }) : () -> ()
    %dma_start3A = arith.constant 0 : i32
    %dma_start3A_3 = arith.constant 0 : i32
    %dma_start3A_4 = tpu.memref_slice %arg2[%dma_start3A, %dma_start3A_3] : memref<100000x64xf32, #tpu.memory_space<hbm>> -> memref<100000x64xf32, #tpu.memory_space<hbm>>
    tpu.enqueue_indirect_dma source(%dma_start3A_4 : memref<100000x64xf32, #tpu.memory_space<hbm>>) target(%arg6 : memref<128x64xf32, #tpu.memory_space<vmem>>) offsets(%arg5 : memref<128xi32, #tpu.memory_space<vmem>>) semaphore(%arg7 : memref<!tpu.dma_semaphore, #tpu.memory_space<semaphore_mem>>)
    %dma_wait3A = arith.constant 0 : i32
    %dma_wait3A_5 = arith.constant 0 : i32
    %dma_wait3A_6 = tpu.memref_slice %arg2[%dma_wait3A, %dma_wait3A_5] : memref<100000x64xf32, #tpu.memory_space<hbm>> -> memref<100000x64xf32, #tpu.memory_space<hbm>>
    tpu.wait_indirect_dma semaphore(%arg7 : memref<!tpu.dma_semaphore, #tpu.memory_space<semaphore_mem>>) src(%dma_wait3A_6 : memref<100000x64xf32, #tpu.memory_space<hbm>>) dst(%arg6 : memref<128x64xf32, #tpu.memory_space<vmem>>)
    "tpu.region"() ({
      %run_scoped3A = tpu.sem_alloc : memref<!tpu.dma_semaphore, #tpu.memory_space<semaphore_mem>>
      %dma_start3A_7 = arith.constant 0 : i32
      %dma_start3A_8 = tpu.memref_slice %arg4[%mul3A_2, %dma_start3A_7] : memref<4096x64xf32, #tpu.memory_space<hbm>> -> memref<128x64xf32, #tpu.memory_space<hbm>>
      %dma_start3A_9 = arith.constant 0 : i32
      %dma_start3A_10 = tpu.memref_slice %arg4[%mul3A_2, %dma_start3A_9] : memref<4096x64xf32, #tpu.memory_space<hbm>> -> memref<128x64xf32, #tpu.memory_space<hbm>>
      tpu.enqueue_dma source(%arg6 : memref<128x64xf32, #tpu.memory_space<vmem>>) target(%dma_start3A_10 : memref<128x64xf32, #tpu.memory_space<hbm>>) target_semaphore(%run_scoped3A : memref<!tpu.dma_semaphore, #tpu.memory_space<semaphore_mem>>)
      %dma_wait3A_11 = arith.constant 0 : i32
      %dma_wait3A_12 = tpu.memref_slice %arg4[%mul3A_2, %dma_wait3A_11] : memref<4096x64xf32, #tpu.memory_space<hbm>> -> memref<128x64xf32, #tpu.memory_space<hbm>>
      %dma_wait3A_13 = arith.constant 0 : i32
      %dma_wait3A_14 = tpu.memref_slice %arg4[%mul3A_2, %dma_wait3A_13] : memref<4096x64xf32, #tpu.memory_space<hbm>> -> memref<128x64xf32, #tpu.memory_space<hbm>>
      tpu.wait_dma2 semaphore(%run_scoped3A : memref<!tpu.dma_semaphore, #tpu.memory_space<semaphore_mem>>) src(%arg6 : memref<128x64xf32, #tpu.memory_space<vmem>>) dst(%dma_wait3A_14 : memref<128x64xf32, #tpu.memory_space<hbm>>)
      tpu.yield
    }) : () -> ()
    return
  }
}

</mosaic_0001>

<sc_bundles>
// kernel: kernel.4.cloned.1.call-start
scs
__scs_entry_jumppad:
0x0: {  	(pc) =	sbr.rel $0x88, $3  }
0x1: {  	(tag) =	ssettag $0x0;
	lr =	simm.s32 $0x1  }
0x2: {  	[smem:$0x3F9D] =	sst lr;
	_ =	strace $0xD0000000  }
0x3: {  	_ = 	snop  }
0x4: {  	_ = 	snop  }
0x5: {  	_ = 	snop  }
0x6: {  	_ = 	snop  }
0x7: {  	_ = 	snop  }
__scs_overlays_trampoline_lowered:
0x8: {  	[smem:$0x3FAC] =	sst s0  }
0x9: {  	[smem:$0x3FAD] =	sst s1  }
0xa: {  	[smem:$0x3FAE] =	sst s2  }
0xb: {  	[smem:$0x3FAF] =	sst s3  }
0xc: {  	[smem:$0x3FB0] =	sst s4  }
0xd: {  	[smem:$0x3FB1] =	sst s5  }
0xe: {  	[smem:$0x3FB2] =	sst s6  }
0xf: {  	[smem:$0x3FB3] =	sst s7  }
0x10: {  	[smem:$0x3FB4] =	sst s8  }
0x11: {  	[smem:$0x3FB5] =	sst s9;
	s0 =	simm.s32 @!p0 $0x0  }
0x12: {  	s1 =	sld [smem:$0x3F9B];
	s0 =	simm.s32 @p0 $0x1  }
0x13: {  	[smem:$0x3FB6] =	sst s0;
	s0 =	simm.s32 @!p1 $0x0  }
0x14: {  	s2 =	sld [smem:$0x3F9A];
	s0 =	simm.s32 @p1 $0x1  }
0x15: {  	[smem:$0x3FB7] =	sst s0;
	s0 =	simm.s32 @!p2 $0x0  }
0x16: {  	s3 =	sld [smem:$0x3FDB];
	s0 =	simm.s32 @p2 $0x1  }
0x17: {  	s4 =	simm.s32 $0x1BF5;
	[smem:$0x3FB9] =	sst s0  }
0x18: {  	s0 =	sld [smem:$0x3F9C];
	_ =	swait.ge [sflag:s4], $0x0  }
0x19: {  	s7 =	sld [smem:$0x3F9D]  }
0x1a: {  	s8 =	sadd.s32 $0xFFFFE003, lr  }
0x1b: {  	s9 =	sadd.s32 $0xFFFFFEF7, lr;
	s5 =	simm.s32 $0xFFFFFFFF;
	p2 =	slt.u32 s8, $0xFFFFF086  }
0x1c: {  	p1 =	slt.u32 s9, $0xF7A;
	s5 =	simm.s32 @!p2 $0x0  }
0x1d: {  	s5 =	simm.s32 @p1 $0x1;
	p0 =	seq.s32 s7, s2  }
0x1e: {  	s7 =	smul.u32 @!p0 $0xF7A, s2;
	p2 =	seq.s32 @!p0 s5, $0x0  }
0x1f: {  	s9 =	smul.u32 $0xF7A, s1;
	s8 =	simm.s32 @!p0 $0x1BF5;
	p2 =	por !p2, p0  }
0x20: {  	[sflag:s8] =	ssyncset.s32 @!p0 $0xFFFFF086;
	s6 =	sadd.s32 @!p0 s3, s7;
	s7 =	simm.s32 @!p0 $0x108  }
0x21: {  	s3 =	sadd.s32 s3, s9;
	s6 =	sadd.s32 @!p0 $0x88, s6;
	s7 =	simm.s32 @p2 $0x1082  }
0x22: {  	[simem:s7], [sflag:s8] =	dma.local @!p0 [hbm:s6], $0xF7A  }
0x23: {  	s9 =	sor.u32 $0xD0000000, s2;
	s6 =	simm.s32 $0x108;
	_ =	swait.ge @!p0 [sflag:s8], $0x0  }
0x24: {  	s3 =	sadd.s32 $0x88, s3;
	s6 =	simm.s32 @!p1 $0x1082;
	[sflag:s4] =	ssyncset.s32 $0xFFFFF086  }
0x25: {  	[simem:s6], [sflag:s4] =	dma.local [hbm:s3], $0xF7A  }
0x26: {  	[smem:$0x3F9D] =	sst s1;
	(tag) =	ssettag s2;
	_ =	strace s9  }
0x27: {  	s1 =	sld [smem:$0x3FAD]  }
0x28: {  	s2 =	sld [smem:$0x3FAE]  }
0x29: {  	s4 =	sld [smem:$0x3FB0]  }
0x2a: {  	p0 =	seq.s32 s5, $0x0;
	s5 =	sld [smem:$0x3FB1]  }
0x2b: {  	s6 =	sld [smem:$0x3FB2]  }
0x2c: {  	s7 =	sld [smem:$0x3FB3]  }
0x2d: {  	s3 =	simm.s32 $0x108;
	s8 =	sld [smem:$0x3FB4]  }
0x2e: {  	s3 =	simm.s32 @!p0 $0x1082;
	s9 =	sld [smem:$0x3FB5]  }
0x2f: {  	lr =	sadd.s32 s0, s3;
	s0 =	sld [smem:$0x3FAC]  }
0x30: {  	s3 =	sld [smem:$0x3FAF]  }
0x31: {  	[smem:$0x3FB8] =	sst s10  }
0x32: {  	s10 =	sld [smem:$0x3FB6];
	_ =	sdelay $0x3  }
0x33: {  	p0 =	seq.s32 s10, $0x1;
	s10 =	sld [smem:$0x3FB8];
	_ =	sdelay $0x3  }
0x34: {  	[smem:$0x3FB8] =	sst s10  }
0x35: {  	s10 =	sld [smem:$0x3FB7];
	_ =	sdelay $0x3  }
0x36: {  	p1 =	seq.s32 s10, $0x1;
	s10 =	sld [smem:$0x3FB8];
	_ =	sdelay $0x3  }
0x37: {  	[smem:$0x3FB8] =	sst s10  }
0x38: {  	s10 =	sld [smem:$0x3FB9]  }
0x39: {  	_ = 	snop;
	(pc) =	sbr.ind lr, $3  }
0x3a: {  	_ = 	snop  }
0x3b: {  	_ = 	snop  }
0x3c: {  	p2 =	seq.s32 s10, $0x1;
	s10 =	sld [smem:$0x3FB8]  }
0x3d: {  	_ =	shalt  }
0x3e: {  	_ =	shalt  }
0x3f: {  	_ =	shalt  }
0x40: {  	_ =	shalt  }
0x41: {  	_ =	shalt  }
0x42: {  	_ =	shalt  }
0x43: {  	_ =	shalt  }
0x44: {  	_ =	shalt  }
0x45: {  	_ =	shalt  }
0x46: {  	_ =	shalt  }
0x47: {  	_ =	shalt  }
0x48: {  	_ =	shalt  }
0x49: {  	_ =	shalt  }
0x4a: {  	_ =	shalt  }
0x4b: {  	_ =	shalt  }
0x4c: {  	_ =	shalt  }
0x4d: {  	_ =	shalt  }
0x4e: {  	_ =	shalt  }
0x4f: {  	_ =	shalt  }
0x50: {  	_ =	shalt  }
0x51: {  	_ =	shalt  }
0x52: {  	_ =	shalt  }
0x53: {  	_ =	shalt  }
0x54: {  	_ =	shalt  }
0x55: {  	_ =	shalt  }
0x56: {  	_ =	shalt  }
0x57: {  	_ =	shalt  }
0x58: {  	_ =	shalt  }
0x59: {  	_ =	shalt  }
0x5a: {  	_ =	shalt  }
0x5b: {  	_ =	shalt  }
0x5c: {  	_ =	shalt  }
0x5d: {  	_ =	shalt  }
0x5e: {  	_ =	shalt  }
0x5f: {  	_ =	shalt  }
0x60: {  	_ =	shalt  }
0x61: {  	_ =	shalt  }
0x62: {  	_ =	shalt  }
0x63: {  	_ =	shalt  }
0x64: {  	_ =	shalt  }
0x65: {  	_ =	shalt  }
0x66: {  	_ =	shalt  }
0x67: {  	_ =	shalt  }
0x68: {  	_ =	shalt  }
0x69: {  	_ =	shalt  }
0x6a: {  	_ =	shalt  }
0x6b: {  	_ =	shalt  }
0x6c: {  	_ =	shalt  }
0x6d: {  	_ =	shalt  }
0x6e: {  	_ =	shalt  }
0x6f: {  	_ =	shalt  }
0x70: {  	_ =	shalt  }
0x71: {  	_ =	shalt  }
0x72: {  	_ =	shalt  }
0x73: {  	_ =	shalt  }
0x74: {  	_ =	shalt  }
0x75: {  	_ =	shalt  }
0x76: {  	_ =	shalt  }
0x77: {  	_ =	shalt  }
0x78: {  	_ =	shalt  }
0x79: {  	_ =	shalt  }
0x7a: {  	_ =	shalt  }
0x7b: {  	_ =	shalt  }
0x7c: {  	_ =	shalt  }
0x7d: {  	_ =	shalt  }
0x7e: {  	_ =	shalt  }
0x7f: {  	_ =	shalt  }
0x80: {  	_ =	shalt  }
0x81: {  	_ =	shalt  }
0x82: {  	_ =	shalt  }
0x83: {  	_ =	shalt  }
0x84: {  	_ =	shalt  }
0x85: {  	_ =	shalt  }
0x86: {  	_ =	shalt  }
0x87: {  	_ =	shalt  }
.Lfunc_end0:
.L_simem_size_0:
called_computation_lowered:
.L_overlay_start_0:
0x88: {  	s2 =	sld [smem:$0x3FD9]  }
0x89: {  	s3 =	sld [smem:$0x3FFE];
	_ =	sdelay $0x1  }
0x8a: {  	s1 =	srdreg.scid  }
0x8b: {  	s0 =	sand.u32 $0x1, s1  }
0x8c: {  	s14 =	sshll.u32 s0, $0xA;
	s2 =	sadd.s32 s3, s2  }
0x8d: {  	s2 =	sadd.s32 s2, s14  }
0x8e: {  	[smem:$0x3FC4] =	sst s2  }
0x8f: {  	_ = 	snop  }
0x90: {  	s2 =	sld [smem:$0x3FD0];
	_ =	sdelay $0x2  }
0x91: {  	s4 =	simm.s32 $0xA;
	s5 =	simm.s32 $0x10;
	s15 =	sld [smem:$0x3FC8]  }
0x92: {  	[smem:s5], [sflag:s4] =	dma.local [hbm:s2], $0x1  }
0x93: {  	_ =	swait.eq [sflag:s4], $0x1  }
0x94: {  	[sflag:s4] =	ssyncset.done $0x0  }
0x95: {  	s16 =	sld [smem:$0x10];
	[sflag:s4] =	ssyncadd.s32 $0xFFFFFFFF  }
0x96: {  	s17 =	sld [smem:$0x11];
	(tm) =	ssettm $0x1  }
0x97: {  	s18 =	sld [smem:$0x3FFB];
	_ =	sdelay $0x3  }
0x98: {  	_ =	strace s18  }
0x99: {  	s5 =	sld [smem:$0x3FFC];
	_ =	sdelay $0x3  }
0x9a: {  	_ =	strace s5  }
0x9b: {  	s5 =	sld [smem:$0x3FFD];
	_ =	sdelay $0x3  }
0x9c: {  	_ =	strace s5  }
0x9d: {  	_ =	strace $0x8FFFFFFF  }
0x9e: {  	s19 =	sld [smem:$0x3FDB];
	_ =	sdelay $0x1  }
0x9f: {  	s6 =	simm.s32 $_scs_section_size  }
0xa0: {  	s7 =	simm.s32 $_size__tile_overlayer_lowered;
	s8 =	simm.s32 $_tile_overlayer_lowered  }
0xa1: {  	s22 =	simm.s32 $0x1BFF;
	s21 =	sshll.u32 s8, $0x1;
	s5 =	sadd.s32 s6, s19  }
0xa2: {  	s9 =	simm.s32 $0x0;
	s20 =	sshll.u32 s7, $0x1;
	s7 =	sadd.s32 s21, s5  }
0xa3: {  	[timem:s9], [sflag:s22] =	dma.local [hbm:s7], s20  }
0xa4: {  	_ =	swait.ge [sflag:s22], s20  }
0xa5: {  	s6 =	ssub.s32 $0x0, s20;
	[sflag:s22] =	ssyncset.done $0x0  }
0xa6: {  	[sflag:s22] =	ssyncadd.s32 s6;
	_ =	sdelay $0x1  }
0xa7: {  	s23 =	simm.s32 $0x1B8B  }
0xa8: {  	_ =	swait.ge [sflag:s23], $0x1  }
0xa9: {  	[sflag:s23] =	ssyncset.done $0x0  }
0xaa: {  	s25 =	simm.s32 $0x1B8E;
	s24 =	sld [smem:$0x3FFE];
	[sflag:s23] =	ssyncadd.s32 $0xFFFFFFFF  }
0xab: {  	s26 =	simm.s32 $execute0_lowered;
	[smem:$0x3FD2] =	sst s25  }
0xac: {  	s7 =	sshll.u32 s26, $0x1;
	_ =	strace $0x80000046;
	[dreg:$0x1] =	wrdreg $0xFFFFFFFF  }
0xad: {  	s28 =	simm.s32 $_size_execute0_lowered;
	s5 =	sadd.s32 s5, s7;
	[dreg:$0x0] =	wrdreg $0x0  }
0xae: {  	s7 =	sshll.u32 s28, $0x1;
	[dreg:$0x2] =	wrdreg s5  }
0xaf: {  	[dreg:$0x3] =	wrdreg s7  }
0xb0: {  	[dreg:$0x4] =	wrdreg $0xC0  }
0xb1: {  	_ =	task [dreg:s9], $0x5FFFF  }
0xb2: {  	[dreg:$0x1] =	wrdreg $0xFFFFFFFF  }
0xb3: {  	[dreg:$0x0] =	wrdreg $0x60  }
0xb4: {  	[dreg:$0x2] =	wrdreg s15  }
0xb5: {  	[dreg:$0x3] =	wrdreg s16  }
0xb6: {  	[dreg:$0x4] =	wrdreg s17  }
0xb7: {  	[dreg:$0x5] =	wrdreg s24  }
0xb8: {  	[dreg:$0x6] =	wrdreg $0x0  }
0xb9: {  	[dreg:$0x7] =	wrdreg $0x9  }
0xba: {  	_ =	task.clear_ibuf [dreg:s9], $0x8FFFF;
	_ =	strace $0x90000046  }
0xbb: {  	s29 =	simm.s32 $0x9;
	_ =	strace $0x80000048  }
0xbc: {  	_ =	swait.ge [sflag:s29], $0x1  }
0xbd: {  	[sflag:s29] =	ssyncadd.s32 $0xFFFFFFFF  }
0xbe: {  	_ =	strace $0x90000048  }
0xbf: {  	_ =	sfence  }
0xc0: {  	s30 =	sld [smem:$0x0];
	_ =	sdelay $0x2  }
0xc1: {  	s31 =	sshll.u32 s1, $0xD;
	s1 =	sshrl.u32 s1, $0x2  }
0xc2: {  	s3 =	sand.u32 $0x4000, s31;
	s1 =	sadd.s32 s1, s30  }
0xc3: {  	s0 =	sor.u32 s3, s0;
	s1 =	sshll.u32 s1, $0x11  }
0xc4: {  	s0 =	sor.u32 s1, s0  }
0xc5: {  	s0 =	sadd.s32 $0x8F2B, s0  }
0xc6: {  	[sflag:s0] =	ssyncadd.remote.s32 $0x1  }
0xc7: {  	_ =	sfence.sel $0xFFFF  }
0xc8: {  	[dreg:$0x0] =	wrdreg $0xFFFFFFFF;
	(pc) =	sbr.abs _section_cstart, $3  }
0xc9: {  	[dreg:$0x1] =	wrdreg $0xFFFFFFFF  }
0xca: {  	_ =	task.clear_ibuf [dreg:s9], $0x2FFFF;
	_ =	strace $0x9FFFFFFF  }
0xcb: {  	(tm) =	ssettm $0x7FFFFFFF  }
tec
execute0_lowered:
.L_overlay_start_1:
0x0: {  	(tag) =	ssettag $0x1  }
0x1: {  	s0 =	rddreg [dreg:$0x0]  }
0x2: {  	s11 =	rddreg [dreg:$0x1]  }
0x3: {  	s3 =	rddreg [dreg:$0x2]  }
0x4: {  	s5 =	rddreg [dreg:$0x3]  }
0x5: {  	s1 =	srdreg.scid;
	s2 =	rddreg [dreg:$0x4]  }
0x6: {  	[dreg:$0x6] =	wrdreg s0;
	s31 =	sand.u32 $0x1, s1;
	s1 =	simm.s32 $0x0  }
0x7: {  	s17 =	simm.s32 $0x18F0;
	[smem:$0x7FF] =	sst s1  }
0x8: {  	s18 =	simm.s32 $0x2570;
	_ =	strace $0x80000047;
	[dreg:$0xc] =	wrdreg s17  }
0x9: {  	s19 =	simm.s32 $0x1970;
	[dreg:$0xd] =	wrdreg s18  }
0xa: {  	s20 =	simm.s32 $0x25F0;
	[dreg:$0xe] =	wrdreg s19  }
0xb: {  	s21 =	simm.s32 $0x19F0;
	[dreg:$0xf] =	wrdreg s20  }
0xc: {  	s22 =	simm.s32 $0x2670;
	[dreg:$0x10] =	wrdreg s21  }
0xd: {  	s23 =	simm.s32 $0x1A70;
	[dreg:$0x11] =	wrdreg s22  }
0xe: {  	s24 =	simm.s32 $0x26F0;
	[dreg:$0x12] =	wrdreg s23  }
0xf: {  	s4 =	stileid.u32;
	s25 =	simm.s32 $0x1AF0;
	[dreg:$0x13] =	wrdreg s24  }
0x10: {  	s26 =	simm.s32 $0x2770;
	s12 =	sshll.u32 s4, $0x1;
	[dreg:$0x14] =	wrdreg s25  }
0x11: {  	p0 =	sne.s32 s4, $0x0;
	s4 =	simm.s32 $0x27F0;
	[dreg:$0x15] =	wrdreg s26  }
0x12: {  	s9 =	simm.s32 $0x1CF0;
	[dreg:$0x17] =	wrdreg s4  }
0x13: {  	s10 =	simm.s32 $0x2970;
	[dreg:$0x1c] =	wrdreg s9  }
0x14: {  	s6 =	sor.u32 s31, s12;
	s12 =	simm.s32 $0x29F0;
	[dreg:$0x1d] =	wrdreg s10  }
0x15: {  	[dreg:$0x1f] =	wrdreg s12;
	s17 =	simm.s32 $0x1EF0  }
0x16: {  	s18 =	simm.s32 $0x2B70;
	[smem:$0x7FA] =	sst s17  }
0x17: {  	s19 =	simm.s32 $0x1F70;
	[smem:$0x7F6] =	sst s18  }
0x18: {  	s20 =	simm.s32 $0x2BF0;
	[smem:$0x7FB] =	sst s19  }
0x19: {  	s21 =	simm.s32 $0x1FF0;
	[smem:$0x7F5] =	sst s20  }
0x1a: {  	s7 =	smul.u32 $0x190, s6;
	s22 =	simm.s32 $0x2C70;
	[smem:$0x7FC] =	sst s21  }
0x1b: {  	s6 =	sshll.u32 s6, $0x4;
	s24 =	simm.s32 $0x2070;
	[smem:$0x7F4] =	sst s22  }
0x1c: {  	s13 =	sadd.s32 s3, s6;
	[smem:$0x7FD] =	sst s24  }
0x1d: {  	s3 =	simm.s32 $0x1B70;
	[dreg:$0x8] =	wrdreg s13  }
0x1e: {  	s8 =	sadd.s32 s6, s5;
	s6 =	simm.s32 $0x2870;
	[dreg:$0x16] =	wrdreg s3  }
0x1f: {  	s0 =	sadd.s32 s11, s7;
	[dreg:$0x19] =	wrdreg s6  }
0x20: {  	s15 =	sadd.s32 $0x4000, s8;
	[dreg:$0x7] =	wrdreg s0  }
0x21: {  	s14 =	sadd.s32 s7, s5;
	s5 =	simm.s32 $0x1BF0;
	[dreg:$0x9] =	wrdreg s15  }
0x22: {  	s7 =	simm.s32 $0x1C70;
	[dreg:$0x18] =	wrdreg s5  }
0x23: {  	s8 =	simm.s32 $0x28F0;
	[dreg:$0x1a] =	wrdreg s7  }
0x24: {  	s11 =	simm.s32 $0x1D70;
	[dreg:$0x1b] =	wrdreg s8  }
0x25: {  	s13 =	simm.s32 $0x1DF0;
	[dreg:$0x1e] =	wrdreg s11  }
0x26: {  	s16 =	sadd.s32 $0xE00, s14;
	[smem:$0x7F8] =	sst s13  }
0x27: {  	s0 =	sshrl.u32 @!p0 s2, $0x3;
	[dreg:$0xa] =	wrdreg s16  }
0x28: {  	s14 =	simm.s32 $0x2A70;
	[dreg:$0xb] =	wrdreg s0  }
0x29: {  	s15 =	simm.s32 $0x1E70;
	[smem:$0x7F3] =	sst s14  }
0x2a: {  	[smem:$0x7F9] =	sst s15  }
0x2b: {  	s16 =	simm.s32 $0x2AF0;
	s23 =	rddreg [dreg:$0x7]  }
0x2c: {  	s4 =	simm.s32 $0x1870;
	s3 =	simm.s32 $0x3;
	[smem:$0x7F7] =	sst s16  }
0x2d: {  	[tilespmem:s4], [sflag:$0x3] =	stream.linear.gather [hbm4b:s23+s1], $0xC80, $0x38;
	[tilespmem:$0x3270] =	vst v63  }
0x2e: {  	_ =	swait.ge [sflag:s3], $0xC80  }
0x2f: {  	[sflag:s3] =	ssyncset.done $0x0  }
0x30: {  	s5 =	simm.s32 $0x3170;
	s25 =	rddreg [dreg:$0x8];
	[sflag:s3] =	ssyncadd.s32 $0xFFFFF380  }
0x31: {  	[tilespmem:s5], [sflag:$0x3] =	stream.linear.gather [hbm4b:s25+s1], $0x80, $0x38;
	[tilespmem:$0x3270] =	vst v63  }
0x32: {  	_ =	swait.ge [sflag:s3], $0x80  }
0x33: {  	s7 =	simm.s32 @!p0 $0x1C03;
	s0 =	rddreg [dreg:$0x6];
	[sflag:s3] =	ssyncset.done $0x0  }
0x34: {  	s8 =	simm.s32 @!p0 $0x3;
	s6 =	rddreg [dreg:$0xb];
	[sflag:s3] =	ssyncadd.s32 $0xFFFFFF80  }
0x35: {  	[spmem:s6], [sflag:s7] =	dma.local @!p0 [hbm:s0], $0x30D4  }
0x36: {  	_ =	swait.ge @!p0 [sflag:s8], $0x30D4  }
0x37: {  	[sflag:s8] =	ssyncset.done @!p0 $0x0  }
0x38: {  	[sflag:s8] =	ssyncadd.s32 @!p0 $0xFFFFCF2C  }
0x39: {  	[bflag:$0x0] =	sbarrier.arrive $0xFFFF  }
0x3a: {  	s26 =	rddreg [dreg:$0xc]  }
0x3b: {  	s9 =	simm.s32 $0x80;
	s6 =	simm.s32 $0x24F0;
	s10 =	rddreg [dreg:$0xd]  }
0x3c: {  	[tilespmem:s6], [sflag:$0x1] =	stream.indirect.gather [spmem:s2], $0x1, s4, s9, $0xb8;
	[tilespmem:$0x3270] =	vst v63  }
0x3d: {  	s11 =	rddreg [dreg:$0xf]  }
0x3e: {  	s12 =	sld [smem:$0x7F3]  }
0x3f: {  	s13 =	rddreg [dreg:$0x10]  }
0x40: {  	s14 =	rddreg [dreg:$0x1f]  }
0x41: {  	s15 =	rddreg [dreg:$0x1d]  }
0x42: {  	s16 =	rddreg [dreg:$0x1b]  }
0x43: {  	s17 =	rddreg [dreg:$0x17]  }
0x44: {  	s18 =	rddreg [dreg:$0x15]  }
0x45: {  	s19 =	rddreg [dreg:$0x13]  }
0x46: {  	s20 =	rddreg [dreg:$0xe]  }
0x47: {  	s21 =	rddreg [dreg:$0x18]  }
0x48: {  	s22 =	rddreg [dreg:$0x11]  }
0x49: {  	s23 =	sld [smem:$0x7F4]  }
0x4a: {  	s7 =	rddreg [dreg:$0x12]  }
0x4b: {  	s24 =	rddreg [dreg:$0x16]  }
0x4c: {  	[tilespmem:s10], [sflag:$0x1] =	stream.indirect.gather [spmem:s2], $0x1, s26, s9, $0xb8;
	[tilespmem:$0x3270] =	vst v63  }
0x4d: {  	s25 =	rddreg [dreg:$0x19]  }
0x4e: {  	[tilespmem:s11], [sflag:$0x1] =	stream.indirect.gather [spmem:s2], $0x1, s20, s9, $0xb8;
	[tilespmem:$0x3270] =	vst v63  }
0x4f: {  	s10 =	sld [smem:$0x7F5]  }
0x50: {  	[tilespmem:s22], [sflag:$0x1] =	stream.indirect.gather [spmem:s2], $0x1, s13, s9, $0xb8;
	[tilespmem:$0x3270] =	vst v63  }
0x51: {  	s26 =	rddreg [dreg:$0x1a]  }
0x52: {  	[tilespmem:s19], [sflag:$0x1] =	stream.indirect.gather [spmem:s2], $0x1, s7, s9, $0xb8;
	[tilespmem:$0x3270] =	vst v63  }
0x53: {  	s22 =	rddreg [dreg:$0x14]  }
0x54: {  	[tilespmem:s18], [sflag:$0x1] =	stream.indirect.gather [spmem:s2], $0x1, s22, s9, $0xb8;
	[tilespmem:$0x3270] =	vst v63  }
0x55: {  	s11 =	sld [smem:$0x7F6]  }
0x56: {  	[tilespmem:s17], [sflag:$0x1] =	stream.indirect.gather [spmem:s2], $0x1, s24, s9, $0xb8;
	[tilespmem:$0x3270] =	vst v63  }
0x57: {  	s20 =	sld [smem:$0x7F7]  }
0x58: {  	[tilespmem:s25], [sflag:$0x1] =	stream.indirect.gather [spmem:s2], $0x1, s21, s9, $0xb8;
	[tilespmem:$0x3270] =	vst v63  }
0x59: {  	s7 =	rddreg [dreg:$0x1c]  }
0x5a: {  	[tilespmem:s16], [sflag:$0x1] =	stream.indirect.gather [spmem:s2], $0x1, s26, s9, $0xb8;
	[tilespmem:$0x3270] =	vst v63  }
0x5b: {  	s18 =	sld [smem:$0x7F8]  }
0x5c: {  	[tilespmem:s15], [sflag:$0x1] =	stream.indirect.gather [spmem:s2], $0x1, s7, s9, $0xb8;
	[tilespmem:$0x3270] =	vst v63  }
0x5d: {  	s17 =	rddreg [dreg:$0x1e]  }
0x5e: {  	[tilespmem:s14], [sflag:$0x1] =	stream.indirect.gather [spmem:s2], $0x1, s17, s9, $0xb8;
	[tilespmem:$0x3270] =	vst v63  }
0x5f: {  	s19 =	sld [smem:$0x7F9]  }
0x60: {  	[tilespmem:s12], [sflag:$0x1] =	stream.indirect.gather [spmem:s2], $0x1, s18, s9, $0xb8;
	[tilespmem:$0x3270] =	vst v63  }
0x61: {  	s21 =	sld [smem:$0x7FA]  }
0x62: {  	[tilespmem:s20], [sflag:$0x1] =	stream.indirect.gather [spmem:s2], $0x1, s19, s9, $0xb8;
	[tilespmem:$0x3270] =	vst v63  }
0x63: {  	s22 =	sld [smem:$0x7FB]  }
0x64: {  	[tilespmem:s11], [sflag:$0x1] =	stream.indirect.gather [spmem:s2], $0x1, s21, s9, $0xb8;
	[tilespmem:$0x3270] =	vst v63  }
0x65: {  	s24 =	sld [smem:$0x7FC]  }
0x66: {  	[tilespmem:s10], [sflag:$0x1] =	stream.indirect.gather [spmem:s2], $0x1, s22, s9, $0xb8;
	[tilespmem:$0x3270] =	vst v63  }
0x67: {  	s25 =	sld [smem:$0x7FD]  }
0x68: {  	[tilespmem:s23], [sflag:$0x1] =	stream.indirect.gather [spmem:s2], $0x1, s24, s9, $0xb8;
	[tilespmem:$0x3270] =	vst v63  }
0x69: {  	s26 =	simm.s32 $0x2CF0  }
0x6a: {  	[tilespmem:s26], [sflag:$0x1] =	stream.indirect.gather [spmem:s2], $0x1, s25, s9, $0xb8;
	[tilespmem:$0x3270] =	vst v63  }
0x6b: {  	s7 =	simm.s32 $0x20F0;
	s10 =	simm.s32 $0x2D70  }
0x6c: {  	[tilespmem:s10], [sflag:$0x1] =	stream.indirect.gather [spmem:s2], $0x1, s7, s9, $0xb8;
	[tilespmem:$0x3270] =	vst v63  }
0x6d: {  	s12 =	simm.s32 $0x2DF0;
	s11 =	simm.s32 $0x2170  }
0x6e: {  	[tilespmem:s12], [sflag:$0x1] =	stream.indirect.gather [spmem:s2], $0x1, s11, s9, $0xb8;
	[tilespmem:$0x3270] =	vst v63  }
0x6f: {  	s13 =	simm.s32 $0x21F0;
	s14 =	simm.s32 $0x2E70  }
0x70: {  	[tilespmem:s14], [sflag:$0x1] =	stream.indirect.gather [spmem:s2], $0x1, s13, s9, $0xb8;
	[tilespmem:$0x3270] =	vst v63  }
0x71: {  	s16 =	simm.s32 $0x2EF0;
	s15 =	simm.s32 $0x2270  }
0x72: {  	[tilespmem:s16], [sflag:$0x1] =	stream.indirect.gather [spmem:s2], $0x1, s15, s9, $0xb8;
	[tilespmem:$0x3270] =	vst v63  }
0x73: {  	s17 =	simm.s32 $0x22F0;
	s18 =	simm.s32 $0x2F70  }
0x74: {  	[tilespmem:s18], [sflag:$0x1] =	stream.indirect.gather [spmem:s2], $0x1, s17, s9, $0xb8;
	[tilespmem:$0x3270] =	vst v63  }
0x75: {  	s19 =	simm.s32 $0x2370;
	s20 =	simm.s32 $0x2FF0  }
0x76: {  	[tilespmem:s20], [sflag:$0x1] =	stream.indirect.gather [spmem:s2], $0x1, s19, s9, $0xb8;
	[tilespmem:$0x3270] =	vst v63  }
0x77: {  	s21 =	simm.s32 $0x23F0;
	s22 =	simm.s32 $0x3070  }
0x78: {  	[tilespmem:s22], [sflag:$0x1] =	stream.indirect.gather [spmem:s2], $0x1, s21, s9, $0xb8;
	[tilespmem:$0x3270] =	vst v63  }
0x79: {  	s28 =	simm.s32 $0x30F0;
	s26 =	simm.s32 $0x2470  }
0x7a: {  	[tilespmem:s28], [sflag:$0x1] =	stream.indirect.gather [spmem:s2], $0x1, s26, s9, $0xb8;
	[tilespmem:$0x3270] =	vst v63  }
0x7b: {  	s29 =	simm.s32 $0x31F0;
	s30 =	simm.s32 $0x2  }
0x7c: {  	[tilespmem:s29], [sflag:$0x2] =	stream.indirect.gather [spmem:s2], $0x1, s5, s9, $0xb8;
	[tilespmem:$0x3270] =	vst v63  }
0x7d: {  	_ =	swait.ge [sflag:s30], $0x80  }
0x7e: {  	[sflag:s30] =	ssyncset.done $0x0  }
0x7f: {  	s23 =	rddreg [dreg:$0x9];
	[sflag:s30] =	ssyncadd.s32 $0xFFFFFF80  }
0x80: {  	[hbm4b:s23+s1] =	stream.linear.scatter [tilespmem:s29], [sflag:$0x3], $0x80, $0x38;
	[tilespmem:$0x3270] =	vst v63  }
0x81: {  	_ =	swait.ge [sflag:s3], $0x80  }
0x82: {  	[sflag:s3] =	ssyncset.done $0x0  }
0x83: {  	s25 =	simm.s32 $0x1;
	[sflag:s3] =	ssyncadd.s32 $0xFFFFFF80  }
0x84: {  	_ =	swait.ge [sflag:s25], $0x80  }
0x85: {  	[sflag:s25] =	ssyncset.done $0x0  }
0x86: {  	[sflag:s25] =	ssyncadd.s32 $0xFFFFFF80  }
0x87: {  	_ =	swait.ge [sflag:s25], $0x80  }
0x88: {  	[sflag:s25] =	ssyncset.done $0x0  }
0x89: {  	[sflag:s25] =	ssyncadd.s32 $0xFFFFFF80  }
0x8a: {  	_ =	swait.ge [sflag:s25], $0x80  }
0x8b: {  	[sflag:s25] =	ssyncset.done $0x0  }
0x8c: {  	[sflag:s25] =	ssyncadd.s32 $0xFFFFFF80  }
0x8d: {  	_ =	swait.ge [sflag:s25], $0x80  }
0x8e: {  	[sflag:s25] =	ssyncset.done $0x0  }
0x8f: {  	[sflag:s25] =	ssyncadd.s32 $0xFFFFFF80  }
0x90: {  	_ =	swait.ge [sflag:s25], $0x80  }
0x91: {  	[sflag:s25] =	ssyncset.done $0x0  }
0x92: {  	[sflag:s25] =	ssyncadd.s32 $0xFFFFFF80  }
0x93: {  	_ =	swait.ge [sflag:s25], $0x80  }
0x94: {  	[sflag:s25] =	ssyncset.done $0x0  }
0x95: {  	[sflag:s25] =	ssyncadd.s32 $0xFFFFFF80  }
0x96: {  	_ =	swait.ge [sflag:s25], $0x80  }
0x97: {  	[sflag:s25] =	ssyncset.done $0x0  }
0x98: {  	[sflag:s25] =	ssyncadd.s32 $0xFFFFFF80  }
0x99: {  	_ =	swait.ge [sflag:s25], $0x80  }
0x9a: {  	[sflag:s25] =	ssyncset.done $0x0  }
0x9b: {  	[sflag:s25] =	ssyncadd.s32 $0xFFFFFF80  }
0x9c: {  	_ =	swait.ge [sflag:s25], $0x80  }
0x9d: {  	[sflag:s25] =	ssyncset.done $0x0  }
0x9e: {  	[sflag:s25] =	ssyncadd.s32 $0xFFFFFF80  }
0x9f: {  	_ =	swait.ge [sflag:s25], $0x80  }
0xa0: {  	[sflag:s25] =	ssyncset.done $0x0  }
0xa1: {  	[sflag:s25] =	ssyncadd.s32 $0xFFFFFF80  }
0xa2: {  	_ =	swait.ge [sflag:s25], $0x80  }
0xa3: {  	[sflag:s25] =	ssyncset.done $0x0  }
0xa4: {  	[sflag:s25] =	ssyncadd.s32 $0xFFFFFF80  }
0xa5: {  	_ =	swait.ge [sflag:s25], $0x80  }
0xa6: {  	[sflag:s25] =	ssyncset.done $0x0  }
0xa7: {  	[sflag:s25] =	ssyncadd.s32 $0xFFFFFF80  }
0xa8: {  	_ =	swait.ge [sflag:s25], $0x80  }
0xa9: {  	[sflag:s25] =	ssyncset.done $0x0  }
0xaa: {  	[sflag:s25] =	ssyncadd.s32 $0xFFFFFF80  }
0xab: {  	_ =	swait.ge [sflag:s25], $0x80  }
0xac: {  	[sflag:s25] =	ssyncset.done $0x0  }
0xad: {  	[sflag:s25] =	ssyncadd.s32 $0xFFFFFF80  }
0xae: {  	_ =	swait.ge [sflag:s25], $0x80  }
0xaf: {  	[sflag:s25] =	ssyncset.done $0x0  }
0xb0: {  	[sflag:s25] =	ssyncadd.s32 $0xFFFFFF80  }
0xb1: {  	_ =	swait.ge [sflag:s25], $0x80  }
0xb2: {  	[sflag:s25] =	ssyncset.done $0x0  }
0xb3: {  	[sflag:s25] =	ssyncadd.s32 $0xFFFFFF80  }
0xb4: {  	_ =	swait.ge [sflag:s25], $0x80  }
0xb5: {  	[sflag:s25] =	ssyncset.done $0x0  }
0xb6: {  	[sflag:s25] =	ssyncadd.s32 $0xFFFFFF80  }
0xb7: {  	s24 =	ssub.s32 $0x2, s31;
	_ =	swait.ge [sflag:s25], $0x80  }
0xb8: {  	s31 =	sshrl.u32 s24, $0x1;
	[sflag:s25] =	ssyncset.done $0x0  }
0xb9: {  	s0 =	ssub.s32 s24, s31;
	[sflag:s25] =	ssyncadd.s32 $0xFFFFFF80  }
0xba: {  	s0 =	smax.u32 s0, $0x1;
	_ =	swait.ge [sflag:s25], $0x80  }
0xbb: {  	s31 =	sadd.s32 $0xFFFFFFFF, s0;
	[sflag:s25] =	ssyncset.done $0x0  }
0xbc: {  	p1 =	sne.s32 s31, $0x0;
	[sflag:s25] =	ssyncadd.s32 $0xFFFFFF80  }
.Ltmp0:
0xbd: {  	_ =	swait.ge [sflag:s25], $0x80;
	(pc) =	sbr.rel @!p1 .LBB2_2-.Ltmp0, $4  }
0xbe: {  	[sflag:s25] =	ssyncset.done $0x0  }
0xbf: {  	[sflag:s25] =	ssyncadd.s32 $0xFFFFFF80  }
0xc0: {  	_ =	swait.ge [sflag:s25], $0x80  }
0xc1: {  	[sflag:s25] =	ssyncset.done $0x0  }
.LBB2_1:
0xc2: {  	[sflag:s25] =	ssyncadd.s32 $0xFFFFFF80  }
0xc3: {  	_ =	swait.ge [sflag:s25], $0x80  }
0xc4: {  	[sflag:s25] =	ssyncset.done $0x0  }
0xc5: {  	[sflag:s25] =	ssyncadd.s32 $0xFFFFFF80  }
0xc6: {  	_ =	swait.ge [sflag:s25], $0x80  }
0xc7: {  	[sflag:s25] =	ssyncset.done $0x0  }
0xc8: {  	[sflag:s25] =	ssyncadd.s32 $0xFFFFFF80  }
0xc9: {  	_ =	swait.ge [sflag:s25], $0x80  }
0xca: {  	[sflag:s25] =	ssyncset.done $0x0  }
0xcb: {  	[sflag:s25] =	ssyncadd.s32 $0xFFFFFF80  }
0xcc: {  	_ =	swait.ge [sflag:s25], $0x80  }
0xcd: {  	[sflag:s25] =	ssyncset.done $0x0  }
0xce: {  	s0 =	rddreg [dreg:$0xa];
	[sflag:s25] =	ssyncadd.s32 $0xFFFFFF80  }
0xcf: {  	[hbm4b:s0+s1] =	stream.linear.scatter [tilespmem:s6], [sflag:$0x3], $0xC80, $0x38;
	[tilespmem:$0x3270] =	vst v63  }
0xd0: {  	_ =	swait.ge [sflag:s3], $0xC80  }
0xd1: {  	[sflag:s3] =	ssyncset.done $0x0  }
0xd2: {  	s10 =	rddreg [dreg:$0x7];
	[sflag:s3] =	ssyncadd.s32 $0xFFFFF380  }
0xd3: {  	[tilespmem:s4], [sflag:$0x3] =	stream.linear.gather [hbm4b:s10+s1], $0xC80, $0x38;
	[tilespmem:$0x3270] =	vst v63  }
0xd4: {  	_ =	swait.ge [sflag:s3], $0xC80  }
0xd5: {  	[sflag:s3] =	ssyncset.done $0x0  }
0xd6: {  	s11 =	rddreg [dreg:$0x8];
	[sflag:s3] =	ssyncadd.s32 $0xFFFFF380  }
0xd7: {  	[tilespmem:s5], [sflag:$0x3] =	stream.linear.gather [hbm4b:s11+s1], $0x80, $0x38;
	[tilespmem:$0x3270] =	vst v63  }
0xd8: {  	_ =	swait.ge [sflag:s3], $0x80  }
0xd9: {  	[sflag:s3] =	ssyncset.done $0x0;
	s0 =	rddreg [dreg:$0x6]  }
0xda: {  	s10 =	simm.s32 @!p0 $0x1C03;
	s7 =	rddreg [dreg:$0xb];
	[sflag:s3] =	ssyncadd.s32 $0xFFFFFF80  }
0xdb: {  	[spmem:s7], [sflag:s10] =	dma.local @!p0 [hbm:s0], $0x30D4  }
0xdc: {  	_ =	swait.ge @!p0 [sflag:s8], $0x30D4  }
0xdd: {  	[sflag:s8] =	ssyncset.done @!p0 $0x0  }
0xde: {  	[sflag:s8] =	ssyncadd.s32 @!p0 $0xFFFFCF2C  }
0xdf: {  	[bflag:$0x0] =	sbarrier.arrive $0xFFFF  }
0xe0: {  	s7 =	rddreg [dreg:$0xc]  }
0xe1: {  	s10 =	rddreg [dreg:$0xd]  }
0xe2: {  	[tilespmem:s6], [sflag:$0x1] =	stream.indirect.gather [spmem:s2], $0x1, s4, s9, $0xb8;
	[tilespmem:$0x3270] =	vst v63  }
0xe3: {  	s11 =	rddreg [dreg:$0xf]  }
0xe4: {  	s0 =	sld [smem:$0x7F3]  }
0xe5: {  	s12 =	rddreg [dreg:$0x10]  }
0xe6: {  	s13 =	rddreg [dreg:$0x1f]  }
0xe7: {  	s14 =	rddreg [dreg:$0x1d]  }
0xe8: {  	s15 =	rddreg [dreg:$0x1b]  }
0xe9: {  	s16 =	rddreg [dreg:$0x17]  }
0xea: {  	s17 =	rddreg [dreg:$0x15]  }
0xeb: {  	s18 =	rddreg [dreg:$0x13]  }
0xec: {  	s19 =	rddreg [dreg:$0xe]  }
0xed: {  	s20 =	rddreg [dreg:$0x18]  }
0xee: {  	s21 =	rddreg [dreg:$0x11]  }
0xef: {  	s22 =	sld [smem:$0x7F4]  }
0xf0: {  	s23 =	rddreg [dreg:$0x12]  }
0xf1: {  	s24 =	sld [smem:$0x7F5]  }
0xf2: {  	[tilespmem:s10], [sflag:$0x1] =	stream.indirect.gather [spmem:s2], $0x1, s7, s9, $0xb8;
	[tilespmem:$0x3270] =	vst v63  }
0xf3: {  	s7 =	sld [smem:$0x7F6]  }
0xf4: {  	[tilespmem:s11], [sflag:$0x1] =	stream.indirect.gather [spmem:s2], $0x1, s19, s9, $0xb8;
	[tilespmem:$0x3270] =	vst v63  }
0xf5: {  	s10 =	sld [smem:$0x7F7]  }
0xf6: {  	[tilespmem:s21], [sflag:$0x1] =	stream.indirect.gather [spmem:s2], $0x1, s12, s9, $0xb8;
	[tilespmem:$0x3270] =	vst v63  }
0xf7: {  	s19 =	rddreg [dreg:$0x19]  }
0xf8: {  	[tilespmem:s18], [sflag:$0x1] =	stream.indirect.gather [spmem:s2], $0x1, s23, s9, $0xb8;
	[tilespmem:$0x3270] =	vst v63  }
0xf9: {  	s12 =	rddreg [dreg:$0x14]  }
0xfa: {  	[tilespmem:s17], [sflag:$0x1] =	stream.indirect.gather [spmem:s2], $0x1, s12, s9, $0xb8;
	[tilespmem:$0x3270] =	vst v63  }
0xfb: {  	s18 =	rddreg [dreg:$0x16]  }
0xfc: {  	[tilespmem:s16], [sflag:$0x1] =	stream.indirect.gather [spmem:s2], $0x1, s18, s9, $0xb8;
	[tilespmem:$0x3270] =	vst v63  }
0xfd: {  	s21 =	rddreg [dreg:$0x1a]  }
0xfe: {  	[tilespmem:s19], [sflag:$0x1] =	stream.indirect.gather [spmem:s2], $0x1, s20, s9, $0xb8;
	[tilespmem:$0x3270] =	vst v63  }
0xff: {  	s23 =	rddreg [dreg:$0x1c]  }
0x100: {  	[tilespmem:s15], [sflag:$0x1] =	stream.indirect.gather [spmem:s2], $0x1, s21, s9, $0xb8;
	[tilespmem:$0x3270] =	vst v63  }
0x101: {  	s17 =	sld [smem:$0x7F8]  }
0x102: {  	[tilespmem:s14], [sflag:$0x1] =	stream.indirect.gather [spmem:s2], $0x1, s23, s9, $0xb8;
	[tilespmem:$0x3270] =	vst v63  }
0x103: {  	s16 =	rddreg [dreg:$0x1e]  }
0x104: {  	[tilespmem:s13], [sflag:$0x1] =	stream.indirect.gather [spmem:s2], $0x1, s16, s9, $0xb8;
	[tilespmem:$0x3270] =	vst v63  }
0x105: {  	s18 =	sld [smem:$0x7F9]  }
0x106: {  	[tilespmem:s0], [sflag:$0x1] =	stream.indirect.gather [spmem:s2], $0x1, s17, s9, $0xb8;
	[tilespmem:$0x3270] =	vst v63  }
0x107: {  	s19 =	sld [smem:$0x7FA]  }
0x108: {  	[tilespmem:s10], [sflag:$0x1] =	stream.indirect.gather [spmem:s2], $0x1, s18, s9, $0xb8;
	[tilespmem:$0x3270] =	vst v63  }
0x109: {  	s20 =	sld [smem:$0x7FB]  }
0x10a: {  	[tilespmem:s7], [sflag:$0x1] =	stream.indirect.gather [spmem:s2], $0x1, s19, s9, $0xb8;
	[tilespmem:$0x3270] =	vst v63  }
0x10b: {  	s21 =	sld [smem:$0x7FC]  }
0x10c: {  	[tilespmem:s24], [sflag:$0x1] =	stream.indirect.gather [spmem:s2], $0x1, s20, s9, $0xb8;
	[tilespmem:$0x3270] =	vst v63  }
0x10d: {  	s23 =	sld [smem:$0x7FD]  }
0x10e: {  	[tilespmem:s22], [sflag:$0x1] =	stream.indirect.gather [spmem:s2], $0x1, s21, s9, $0xb8;
	[tilespmem:$0x3270] =	vst v63  }
0x10f: {  	s24 =	simm.s32 $0x2CF0  }
0x110: {  	[tilespmem:s24], [sflag:$0x1] =	stream.indirect.gather [spmem:s2], $0x1, s23, s9, $0xb8;
	[tilespmem:$0x3270] =	vst v63  }
0x111: {  	s11 =	simm.s32 $0x2D70;
	s10 =	simm.s32 $0x20F0  }
0x112: {  	[tilespmem:s11], [sflag:$0x1] =	stream.indirect.gather [spmem:s2], $0x1, s10, s9, $0xb8;
	[tilespmem:$0x3270] =	vst v63  }
0x113: {  	s12 =	simm.s32 $0x2170;
	s13 =	simm.s32 $0x2DF0  }
0x114: {  	[tilespmem:s13], [sflag:$0x1] =	stream.indirect.gather [spmem:s2], $0x1, s12, s9, $0xb8;
	[tilespmem:$0x3270] =	vst v63  }
0x115: {  	s15 =	simm.s32 $0x2E70;
	s14 =	simm.s32 $0x21F0  }
0x116: {  	[tilespmem:s15], [sflag:$0x1] =	stream.indirect.gather [spmem:s2], $0x1, s14, s9, $0xb8;
	[tilespmem:$0x3270] =	vst v63  }
0x117: {  	s16 =	simm.s32 $0x2270;
	s17 =	simm.s32 $0x2EF0  }
0x118: {  	[tilespmem:s17], [sflag:$0x1] =	stream.indirect.gather [spmem:s2], $0x1, s16, s9, $0xb8;
	[tilespmem:$0x3270] =	vst v63  }
0x119: {  	s18 =	simm.s32 $0x22F0;
	s19 =	simm.s32 $0x2F70  }
0x11a: {  	[tilespmem:s19], [sflag:$0x1] =	stream.indirect.gather [spmem:s2], $0x1, s18, s9, $0xb8;
	[tilespmem:$0x3270] =	vst v63  }
0x11b: {  	s20 =	simm.s32 $0x2370;
	s21 =	simm.s32 $0x2FF0  }
0x11c: {  	[tilespmem:s21], [sflag:$0x1] =	stream.indirect.gather [spmem:s2], $0x1, s20, s9, $0xb8;
	[tilespmem:$0x3270] =	vst v63  }
0x11d: {  	s22 =	simm.s32 $0x23F0;
	s23 =	simm.s32 $0x3070  }
0x11e: {  	[tilespmem:s23], [sflag:$0x1] =	stream.indirect.gather [spmem:s2], $0x1, s22, s9, $0xb8;
	[tilespmem:$0x3270] =	vst v63  }
0x11f: {  	_ = 	snop  }
0x120: {  	[tilespmem:s28], [sflag:$0x1] =	stream.indirect.gather [spmem:s2], $0x1, s26, s9, $0xb8;
	[tilespmem:$0x3270] =	vst v63  }
0x121: {  	_ = 	snop  }
0x122: {  	[tilespmem:s29], [sflag:$0x2] =	stream.indirect.gather [spmem:s2], $0x1, s5, s9, $0xb8;
	[tilespmem:$0x3270] =	vst v63  }
0x123: {  	_ =	swait.ge [sflag:s30], $0x80  }
0x124: {  	[sflag:s30] =	ssyncset.done $0x0  }
0x125: {  	s24 =	rddreg [dreg:$0x9];
	[sflag:s30] =	ssyncadd.s32 $0xFFFFFF80  }
0x126: {  	[hbm4b:s24+s1] =	stream.linear.scatter [tilespmem:s29], [sflag:$0x3], $0x80, $0x38;
	[tilespmem:$0x3270] =	vst v63  }
0x127: {  	_ =	swait.ge [sflag:s3], $0x80  }
0x128: {  	[sflag:s3] =	ssyncset.done $0x0  }
0x129: {  	[sflag:s3] =	ssyncadd.s32 $0xFFFFFF80  }
0x12a: {  	_ =	swait.ge [sflag:s25], $0x80  }
0x12b: {  	[sflag:s25] =	ssyncset.done $0x0  }
0x12c: {  	[sflag:s25] =	ssyncadd.s32 $0xFFFFFF80  }
0x12d: {  	_ =	swait.ge [sflag:s25], $0x80  }
0x12e: {  	[sflag:s25] =	ssyncset.done $0x0  }
0x12f: {  	[sflag:s25] =	ssyncadd.s32 $0xFFFFFF80  }
0x130: {  	_ =	swait.ge [sflag:s25], $0x80  }
0x131: {  	[sflag:s25] =	ssyncset.done $0x0  }
0x132: {  	[sflag:s25] =	ssyncadd.s32 $0xFFFFFF80  }
0x133: {  	_ =	swait.ge [sflag:s25], $0x80  }
0x134: {  	[sflag:s25] =	ssyncset.done $0x0  }
0x135: {  	[sflag:s25] =	ssyncadd.s32 $0xFFFFFF80  }
0x136: {  	_ =	swait.ge [sflag:s25], $0x80  }
0x137: {  	[sflag:s25] =	ssyncset.done $0x0  }
0x138: {  	[sflag:s25] =	ssyncadd.s32 $0xFFFFFF80  }
0x139: {  	_ =	swait.ge [sflag:s25], $0x80  }
0x13a: {  	[sflag:s25] =	ssyncset.done $0x0  }
0x13b: {  	[sflag:s25] =	ssyncadd.s32 $0xFFFFFF80  }
0x13c: {  	_ =	swait.ge [sflag:s25], $0x80  }
0x13d: {  	[sflag:s25] =	ssyncset.done $0x0  }
0x13e: {  	[sflag:s25] =	ssyncadd.s32 $0xFFFFFF80  }
0x13f: {  	_ =	swait.ge [sflag:s25], $0x80  }
0x140: {  	[sflag:s25] =	ssyncset.done $0x0  }
0x141: {  	[sflag:s25] =	ssyncadd.s32 $0xFFFFFF80  }
0x142: {  	_ =	swait.ge [sflag:s25], $0x80  }
0x143: {  	[sflag:s25] =	ssyncset.done $0x0  }
0x144: {  	[sflag:s25] =	ssyncadd.s32 $0xFFFFFF80  }
0x145: {  	_ =	swait.ge [sflag:s25], $0x80  }
0x146: {  	[sflag:s25] =	ssyncset.done $0x0  }
0x147: {  	[sflag:s25] =	ssyncadd.s32 $0xFFFFFF80  }
0x148: {  	_ =	swait.ge [sflag:s25], $0x80  }
0x149: {  	[sflag:s25] =	ssyncset.done $0x0  }
0x14a: {  	[sflag:s25] =	ssyncadd.s32 $0xFFFFFF80  }
0x14b: {  	_ =	swait.ge [sflag:s25], $0x80  }
0x14c: {  	[sflag:s25] =	ssyncset.done $0x0  }
0x14d: {  	[sflag:s25] =	ssyncadd.s32 $0xFFFFFF80  }
0x14e: {  	_ =	swait.ge [sflag:s25], $0x80  }
0x14f: {  	[sflag:s25] =	ssyncset.done $0x0  }
0x150: {  	[sflag:s25] =	ssyncadd.s32 $0xFFFFFF80  }
0x151: {  	_ =	swait.ge [sflag:s25], $0x80  }
0x152: {  	[sflag:s25] =	ssyncset.done $0x0  }
0x153: {  	[sflag:s25] =	ssyncadd.s32 $0xFFFFFF80  }
0x154: {  	_ =	swait.ge [sflag:s25], $0x80  }
0x155: {  	[sflag:s25] =	ssyncset.done $0x0  }
0x156: {  	[sflag:s25] =	ssyncadd.s32 $0xFFFFFF80  }
0x157: {  	_ =	swait.ge [sflag:s25], $0x80  }
0x158: {  	[sflag:s25] =	ssyncset.done $0x0  }
0x159: {  	[sflag:s25] =	ssyncadd.s32 $0xFFFFFF80  }
0x15a: {  	_ =	swait.ge [sflag:s25], $0x80  }
0x15b: {  	[sflag:s25] =	ssyncset.done $0x0  }
0x15c: {  	[sflag:s25] =	ssyncadd.s32 $0xFFFFFF80  }
0x15d: {  	_ =	swait.ge [sflag:s25], $0x80  }
0x15e: {  	[sflag:s25] =	ssyncset.done $0x0  }
0x15f: {  	[sflag:s25] =	ssyncadd.s32 $0xFFFFFF80  }
0x160: {  	_ =	swait.ge [sflag:s25], $0x80  }
0x161: {  	s31 =	sadd.s32 $0xFFFFFFFF, s31;
	[sflag:s25] =	ssyncset.done $0x0  }
0x162: {  	p1 =	sne.s32 s31, $0x0;
	[sflag:s25] =	ssyncadd.s32 $0xFFFFFF80  }
.Ltmp1:
0x163: {  	_ =	swait.ge [sflag:s25], $0x80;
	(pc) =	sbr.rel @p1 .LBB2_1-.Ltmp1, $4  }
0x164: {  	[sflag:s25] =	ssyncset.done $0x0  }
0x165: {  	[sflag:s25] =	ssyncadd.s32 $0xFFFFFF80  }
0x166: {  	_ =	swait.ge [sflag:s25], $0x80  }
0x167: {  	[sflag:s25] =	ssyncset.done $0x0  }
.LBB2_2:
0x168: {  	[sflag:s25] =	ssyncadd.s32 $0xFFFFFF80  }
0x169: {  	_ =	swait.ge [sflag:s25], $0x80  }
0x16a: {  	[sflag:s25] =	ssyncset.done $0x0  }
0x16b: {  	[sflag:s25] =	ssyncadd.s32 $0xFFFFFF80  }
0x16c: {  	_ =	swait.ge [sflag:s25], $0x80  }
0x16d: {  	[sflag:s25] =	ssyncset.done $0x0  }
0x16e: {  	[sflag:s25] =	ssyncadd.s32 $0xFFFFFF80  }
0x16f: {  	_ =	swait.ge [sflag:s25], $0x80  }
0x170: {  	[sflag:s25] =	ssyncset.done $0x0  }
0x171: {  	[sflag:s25] =	ssyncadd.s32 $0xFFFFFF80  }
0x172: {  	_ =	swait.ge [sflag:s25], $0x80  }
0x173: {  	[sflag:s25] =	ssyncset.done $0x0  }
0x174: {  	s0 =	rddreg [dreg:$0xa];
	[sflag:s25] =	ssyncadd.s32 $0xFFFFFF80  }
0x175: {  	[hbm4b:s0+s1] =	stream.linear.scatter [tilespmem:s6], [sflag:$0x3], $0xC80, $0x38;
	[tilespmem:$0x3270] =	vst v63  }
0x176: {  	_ =	swait.ge [sflag:s3], $0xC80  }
0x177: {  	[sflag:s3] =	ssyncset.done $0x0  }
0x178: {  	[sflag:s3] =	ssyncadd.s32 $0xFFFFF380  }
0x179: {  	_ =	sfence.sel $0x180000  }
0x17a: {  	[bflag:$0x0] =	sbarrier.arrive $0xFFFF  }
0x17b: {  	_ =	strace $0x90000047  }
0x17c: {  	[bflag:$0x2] =	sbarrier.arrive $0xFFFF  }
0x17d: {  	s0 =	rddreg [dreg:$0x5]  }
0x17e: {  	s0 =	sadd.s32 @!p0 $0x100000, s0  }
0x17f: {  	[sflag:s0] =	ssyncadd.tile.s32 @!p0 $0x1;
	_ =	shalt  }
.Lfunc_end2:
_tile_overlayer_lowered:
.L_overlay_start_2:
0x180: {  	(tag) =	ssettag $0x2  }
0x181: {  	s0 =	rddreg [dreg:$0x0];
	s2 =	stileid.u32  }
0x182: {  	s1 =	rddreg [dreg:$0x1];
	p0 =	sne.s32 s2, $0x0  }
0x183: {  	s3 =	rddreg [dreg:$0x2];
	[bflag:$0x3] =	sbarrier.arrive $0xFFFF;
	s2 =	simm.s32 @!p0 $0x1C03  }
0x184: {  	[timem:s3], [sflag:s2] =	dma.local @!p0 [hbm:s0], s1  }
0x185: {  	s0 =	simm.s32 @!p0 $0x3  }
0x186: {  	_ =	swait.ge @!p0 [sflag:s0], s1  }
0x187: {  	s1 =	ssub.s32 @!p0 $0x0, s1;
	[sflag:s0] =	ssyncset.done @!p0 $0x0  }
0x188: {  	[sflag:s0] =	ssyncadd.s32 @!p0 s1  }
0x189: {  	[bflag:$0x3] =	sbarrier.arrive $0xFFFF  }
0x18a: {  	_ =	shalt  }

// kernel: kernel.7.cloned.1.call-start
scs
__scs_entry_jumppad:
0x0: {  	(pc) =	sbr.rel $0x88, $3  }
0x1: {  	(tag) =	ssettag $0x0;
	lr =	simm.s32 $0x1  }
0x2: {  	[smem:$0x3F9D] =	sst lr;
	_ =	strace $0xD0000000  }
0x3: {  	_ = 	snop  }
0x4: {  	_ = 	snop  }
0x5: {  	_ = 	snop  }
0x6: {  	_ = 	snop  }
0x7: {  	_ = 	snop  }
__scs_overlays_trampoline_lowered:
0x8: {  	[smem:$0x3FAC] =	sst s0  }
0x9: {  	[smem:$0x3FAD] =	sst s1  }
0xa: {  	[smem:$0x3FAE] =	sst s2  }
0xb: {  	[smem:$0x3FAF] =	sst s3  }
0xc: {  	[smem:$0x3FB0] =	sst s4  }
0xd: {  	[smem:$0x3FB1] =	sst s5  }
0xe: {  	[smem:$0x3FB2] =	sst s6  }
0xf: {  	[smem:$0x3FB3] =	sst s7  }
0x10: {  	[smem:$0x3FB4] =	sst s8  }
0x11: {  	[smem:$0x3FB5] =	sst s9;
	s0 =	simm.s32 @!p0 $0x0  }
0x12: {  	s1 =	sld [smem:$0x3F9B];
	s0 =	simm.s32 @p0 $0x1  }
0x13: {  	[smem:$0x3FB6] =	sst s0;
	s0 =	simm.s32 @!p1 $0x0  }
0x14: {  	s2 =	sld [smem:$0x3F9A];
	s0 =	simm.s32 @p1 $0x1  }
0x15: {  	[smem:$0x3FB7] =	sst s0;
	s0 =	simm.s32 @!p2 $0x0  }
0x16: {  	s3 =	sld [smem:$0x3FDB];
	s0 =	simm.s32 @p2 $0x1  }
0x17: {  	s4 =	simm.s32 $0x1BF5;
	[smem:$0x3FB9] =	sst s0  }
0x18: {  	s0 =	sld [smem:$0x3F9C];
	_ =	swait.ge [sflag:s4], $0x0  }
0x19: {  	s7 =	sld [smem:$0x3F9D]  }
0x1a: {  	s8 =	sadd.s32 $0xFFFFE003, lr  }
0x1b: {  	s9 =	sadd.s32 $0xFFFFFEF7, lr;
	s5 =	simm.s32 $0xFFFFFFFF;
	p2 =	slt.u32 s8, $0xFFFFF086  }
0x1c: {  	p1 =	slt.u32 s9, $0xF7A;
	s5 =	simm.s32 @!p2 $0x0  }
0x1d: {  	s5 =	simm.s32 @p1 $0x1;
	p0 =	seq.s32 s7, s2  }
0x1e: {  	s7 =	smul.u32 @!p0 $0xF7A, s2;
	p2 =	seq.s32 @!p0 s5, $0x0  }
0x1f: {  	s9 =	smul.u32 $0xF7A, s1;
	s8 =	simm.s32 @!p0 $0x1BF5;
	p2 =	por !p2, p0  }
0x20: {  	[sflag:s8] =	ssyncset.s32 @!p0 $0xFFFFF086;
	s6 =	sadd.s32 @!p0 s3, s7;
	s7 =	simm.s32 @!p0 $0x108  }
0x21: {  	s3 =	sadd.s32 s3, s9;
	s6 =	sadd.s32 @!p0 $0x88, s6;
	s7 =	simm.s32 @p2 $0x1082  }
0x22: {  	[simem:s7], [sflag:s8] =	dma.local @!p0 [hbm:s6], $0xF7A  }
0x23: {  	s9 =	sor.u32 $0xD0000000, s2;
	s6 =	simm.s32 $0x108;
	_ =	swait.ge @!p0 [sflag:s8], $0x0  }
0x24: {  	s3 =	sadd.s32 $0x88, s3;
	s6 =	simm.s32 @!p1 $0x1082;
	[sflag:s4] =	ssyncset.s32 $0xFFFFF086  }
0x25: {  	[simem:s6], [sflag:s4] =	dma.local [hbm:s3], $0xF7A  }
0x26: {  	[smem:$0x3F9D] =	sst s1;
	(tag) =	ssettag s2;
	_ =	strace s9  }
0x27: {  	s1 =	sld [smem:$0x3FAD]  }
0x28: {  	s2 =	sld [smem:$0x3FAE]  }
0x29: {  	s4 =	sld [smem:$0x3FB0]  }
0x2a: {  	p0 =	seq.s32 s5, $0x0;
	s5 =	sld [smem:$0x3FB1]  }
0x2b: {  	s6 =	sld [smem:$0x3FB2]  }
0x2c: {  	s7 =	sld [smem:$0x3FB3]  }
0x2d: {  	s3 =	simm.s32 $0x108;
	s8 =	sld [smem:$0x3FB4]  }
0x2e: {  	s3 =	simm.s32 @!p0 $0x1082;
	s9 =	sld [smem:$0x3FB5]  }
0x2f: {  	lr =	sadd.s32 s0, s3;
	s0 =	sld [smem:$0x3FAC]  }
0x30: {  	s3 =	sld [smem:$0x3FAF]  }
0x31: {  	[smem:$0x3FB8] =	sst s10  }
0x32: {  	s10 =	sld [smem:$0x3FB6];
	_ =	sdelay $0x3  }
0x33: {  	p0 =	seq.s32 s10, $0x1;
	s10 =	sld [smem:$0x3FB8];
	_ =	sdelay $0x3  }
0x34: {  	[smem:$0x3FB8] =	sst s10  }
0x35: {  	s10 =	sld [smem:$0x3FB7];
	_ =	sdelay $0x3  }
0x36: {  	p1 =	seq.s32 s10, $0x1;
	s10 =	sld [smem:$0x3FB8];
	_ =	sdelay $0x3  }
0x37: {  	[smem:$0x3FB8] =	sst s10  }
0x38: {  	s10 =	sld [smem:$0x3FB9]  }
0x39: {  	_ = 	snop;
	(pc) =	sbr.ind lr, $3  }
0x3a: {  	_ = 	snop  }
0x3b: {  	_ = 	snop  }
0x3c: {  	p2 =	seq.s32 s10, $0x1;
	s10 =	sld [smem:$0x3FB8]  }
0x3d: {  	_ =	shalt  }
0x3e: {  	_ =	shalt  }
0x3f: {  	_ =	shalt  }
0x40: {  	_ =	shalt  }
0x41: {  	_ =	shalt  }
0x42: {  	_ =	shalt  }
0x43: {  	_ =	shalt  }
0x44: {  	_ =	shalt  }
0x45: {  	_ =	shalt  }
0x46: {  	_ =	shalt  }
0x47: {  	_ =	shalt  }
0x48: {  	_ =	shalt  }
0x49: {  	_ =	shalt  }
0x4a: {  	_ =	shalt  }
0x4b: {  	_ =	shalt  }
0x4c: {  	_ =	shalt  }
0x4d: {  	_ =	shalt  }
0x4e: {  	_ =	shalt  }
0x4f: {  	_ =	shalt  }
0x50: {  	_ =	shalt  }
0x51: {  	_ =	shalt  }
0x52: {  	_ =	shalt  }
0x53: {  	_ =	shalt  }
0x54: {  	_ =	shalt  }
0x55: {  	_ =	shalt  }
0x56: {  	_ =	shalt  }
0x57: {  	_ =	shalt  }
0x58: {  	_ =	shalt  }
0x59: {  	_ =	shalt  }
0x5a: {  	_ =	shalt  }
0x5b: {  	_ =	shalt  }
0x5c: {  	_ =	shalt  }
0x5d: {  	_ =	shalt  }
0x5e: {  	_ =	shalt  }
0x5f: {  	_ =	shalt  }
0x60: {  	_ =	shalt  }
0x61: {  	_ =	shalt  }
0x62: {  	_ =	shalt  }
0x63: {  	_ =	shalt  }
0x64: {  	_ =	shalt  }
0x65: {  	_ =	shalt  }
0x66: {  	_ =	shalt  }
0x67: {  	_ =	shalt  }
0x68: {  	_ =	shalt  }
0x69: {  	_ =	shalt  }
0x6a: {  	_ =	shalt  }
0x6b: {  	_ =	shalt  }
0x6c: {  	_ =	shalt  }
0x6d: {  	_ =	shalt  }
0x6e: {  	_ =	shalt  }
0x6f: {  	_ =	shalt  }
0x70: {  	_ =	shalt  }
0x71: {  	_ =	shalt  }
0x72: {  	_ =	shalt  }
0x73: {  	_ =	shalt  }
0x74: {  	_ =	shalt  }
0x75: {  	_ =	shalt  }
0x76: {  	_ =	shalt  }
0x77: {  	_ =	shalt  }
0x78: {  	_ =	shalt  }
0x79: {  	_ =	shalt  }
0x7a: {  	_ =	shalt  }
0x7b: {  	_ =	shalt  }
0x7c: {  	_ =	shalt  }
0x7d: {  	_ =	shalt  }
0x7e: {  	_ =	shalt  }
0x7f: {  	_ =	shalt  }
0x80: {  	_ =	shalt  }
0x81: {  	_ =	shalt  }
0x82: {  	_ =	shalt  }
0x83: {  	_ =	shalt  }
0x84: {  	_ =	shalt  }
0x85: {  	_ =	shalt  }
0x86: {  	_ =	shalt  }
0x87: {  	_ =	shalt  }
.Lfunc_end0:
.L_simem_size_0:
called_computation.1_lowered:
.L_overlay_start_0:
0x88: {  	s2 =	sld [smem:$0x3FD9]  }
0x89: {  	s3 =	sld [smem:$0x3FFE];
	_ =	sdelay $0x1  }
0x8a: {  	s1 =	srdreg.scid  }
0x8b: {  	s0 =	sand.u32 $0x1, s1  }
0x8c: {  	s14 =	sshll.u32 s0, $0xA;
	s2 =	sadd.s32 s3, s2  }
0x8d: {  	s2 =	sadd.s32 s2, s14  }
0x8e: {  	[smem:$0x3FC4] =	sst s2  }
0x8f: {  	_ = 	snop  }
0x90: {  	s2 =	sld [smem:$0x3FD0];
	_ =	sdelay $0x2  }
0x91: {  	s15 =	simm.s32 $0xA;
	s4 =	simm.s32 $0x10  }
0x92: {  	[smem:s4], [sflag:s15] =	dma.local [hbm:s2], $0x1  }
0x93: {  	_ =	swait.eq [sflag:s15], $0x1  }
0x94: {  	[sflag:s15] =	ssyncset.done $0x0  }
0x95: {  	[sflag:s15] =	ssyncadd.s32 $0xFFFFFFFF  }
0x96: {  	s16 =	sld [smem:$0x10];
	(tm) =	ssettm $0x1  }
0x97: {  	s17 =	sld [smem:$0x3FFB];
	_ =	sdelay $0x3  }
0x98: {  	_ =	strace s17  }
0x99: {  	s3 =	sld [smem:$0x3FFC];
	_ =	sdelay $0x3  }
0x9a: {  	_ =	strace s3  }
0x9b: {  	s3 =	sld [smem:$0x3FFD];
	_ =	sdelay $0x3  }
0x9c: {  	_ =	strace s3  }
0x9d: {  	_ =	strace $0x8FFFFFFF  }
0x9e: {  	s18 =	sld [smem:$0x3FDB];
	_ =	sdelay $0x1  }
0x9f: {  	s19 =	simm.s32 $_scs_section_size  }
0xa0: {  	s5 =	simm.s32 $_size__tile_overlayer_lowered;
	s6 =	simm.s32 $_tile_overlayer_lowered  }
0xa1: {  	s22 =	simm.s32 $0x1BFF;
	s21 =	sshll.u32 s6, $0x1;
	s3 =	sadd.s32 s19, s18  }
0xa2: {  	s7 =	simm.s32 $0x0;
	s20 =	sshll.u32 s5, $0x1;
	s5 =	sadd.s32 s21, s3  }
0xa3: {  	[timem:s7], [sflag:s22] =	dma.local [hbm:s5], s20  }
0xa4: {  	_ =	swait.ge [sflag:s22], s20  }
0xa5: {  	s4 =	ssub.s32 $0x0, s20;
	[sflag:s22] =	ssyncset.done $0x0  }
0xa6: {  	[sflag:s22] =	ssyncadd.s32 s4;
	_ =	sdelay $0x1  }
0xa7: {  	s23 =	simm.s32 $0x1B8B  }
0xa8: {  	_ =	swait.ge [sflag:s23], $0x1  }
0xa9: {  	[sflag:s23] =	ssyncset.done $0x0  }
0xaa: {  	s25 =	simm.s32 $0x1B8E;
	s24 =	sld [smem:$0x3FFE];
	[sflag:s23] =	ssyncadd.s32 $0xFFFFFFFF  }
0xab: {  	s26 =	simm.s32 $execute0_lowered;
	[smem:$0x3FD2] =	sst s25  }
0xac: {  	s5 =	sshll.u32 s26, $0x1;
	_ =	strace $0x80000049;
	[dreg:$0x1] =	wrdreg $0xFFFFFFFF  }
0xad: {  	s28 =	simm.s32 $_size_execute0_lowered;
	s3 =	sadd.s32 s3, s5;
	[dreg:$0x0] =	wrdreg $0x0  }
0xae: {  	s5 =	sshll.u32 s28, $0x1;
	[dreg:$0x2] =	wrdreg s3  }
0xaf: {  	[dreg:$0x3] =	wrdreg s5  }
0xb0: {  	[dreg:$0x4] =	wrdreg $0xC0  }
0xb1: {  	_ =	task [dreg:s7], $0x5FFFF  }
0xb2: {  	[dreg:$0x1] =	wrdreg $0xFFFFFFFF  }
0xb3: {  	[dreg:$0x0] =	wrdreg $0x60  }
0xb4: {  	[dreg:$0x2] =	wrdreg s24  }
0xb5: {  	[dreg:$0x3] =	wrdreg s16  }
0xb6: {  	[dreg:$0x4] =	wrdreg $0x9  }
0xb7: {  	_ =	task.clear_ibuf [dreg:s7], $0x5FFFF;
	_ =	strace $0x90000049  }
0xb8: {  	s29 =	simm.s32 $0x9;
	_ =	strace $0x8000004B  }
0xb9: {  	_ =	swait.ge [sflag:s29], $0x1  }
0xba: {  	[sflag:s29] =	ssyncadd.s32 $0xFFFFFFFF  }
0xbb: {  	_ =	strace $0x9000004B  }
0xbc: {  	_ =	sfence  }
0xbd: {  	s30 =	sld [smem:$0x0];
	_ =	sdelay $0x2  }
0xbe: {  	s31 =	sshll.u32 s1, $0xD;
	s1 =	sshrl.u32 s1, $0x2  }
0xbf: {  	s3 =	sand.u32 $0x4000, s31;
	s1 =	sadd.s32 s1, s30  }
0xc0: {  	s0 =	sor.u32 s3, s0;
	s1 =	sshll.u32 s1, $0x11  }
0xc1: {  	s0 =	sor.u32 s1, s0  }
0xc2: {  	s0 =	sadd.s32 $0x8F2B, s0  }
0xc3: {  	[sflag:s0] =	ssyncadd.remote.s32 $0x1  }
0xc4: {  	_ =	sfence.sel $0xFFFF  }
0xc5: {  	[dreg:$0x0] =	wrdreg $0xFFFFFFFF;
	(pc) =	sbr.abs _section_cstart, $3  }
0xc6: {  	[dreg:$0x1] =	wrdreg $0xFFFFFFFF  }
0xc7: {  	_ =	task.clear_ibuf [dreg:s7], $0x2FFFF;
	_ =	strace $0x9FFFFFFF  }
0xc8: {  	(tm) =	ssettm $0x7FFFFFFF  }
0xc9: {  	_ =	shalt  }
tec
execute0_lowered:
.L_overlay_start_1:
0x0: {  	(tag) =	ssettag $0x1  }
0x1: {  	s1 =	srdreg.scid  }
0x2: {  	s0 =	stileid.u32;
	s6 =	sand.u32 $0x1, s1  }
0x3: {  	s5 =	rddreg [dreg:$0x0];
	s30 =	sshll.u32 s0, $0x8;
	s2 =	sshll.u32 s6, $0x7  }
0x4: {  	s8 =	rddreg [dreg:$0x1];
	s9 =	sor.u32 s2, s30  }
0x5: {  	s1 =	rddreg [dreg:$0x2];
	s2 =	simm.s32 $0x0;
	s3 =	sshrl.u32 s9, $0x3  }
0x6: {  	s10 =	ssub.s32 $0x2, s6;
	[smem:$0x7FF] =	sst s2;
	s3 =	sadd.s32 s3, s5  }
0x7: {  	_ =	strace $0x8000004A;
	s4 =	sadd.s32 $0x4000, s3;
	s3 =	simm.s32 $0x2  }
0x8: {  	[tilespmem:s2], [sflag:$0x2] =	stream.linear.gather [hbm4b:s4+s2], $0x80, $0x38;
	[tilespmem:$0x2080] =	vst v63  }
0x9: {  	s7 =	simm.s32 $0x1;
	s11 =	sshrl.u32 s10, $0x1;
	_ =	swait.ge [sflag:s3], $0x80  }
0xa: {  	s6 =	simm.s32 $0x80;
	s10 =	ssub.s32 s10, s11;
	[sflag:s3] =	ssyncset.done $0x0  }
0xb: {  	s5 =	sadd.s32 $0x18AC00, s5;
	s31 =	smax.u32 s10, $0x1;
	[sflag:s3] =	ssyncadd.s32 $0xFFFFFF80  }
0xc: {  	[tilespmem:s6], [sflag:$0x1] =	stream.indirect.gather [hbm4b:s5+s6], $0x40, s2, s6, $0xb8;
	[tilespmem:$0x2080] =	vst v63  }
0xd: {  	p0 =	sne.s32 s31, $0x1;
	_ =	swait.ge [sflag:s7], $0x2000  }
.Ltmp0:
0xe: {  	s9 =	sshll.u32 s9, $0x3;
	[sflag:s7] =	ssyncset.done $0x0;
	(pc) =	sbr.rel @!p0 .LBB2_2-.Ltmp0, $4  }
0xf: {  	s8 =	sadd.s32 s8, s9;
	[sflag:s7] =	ssyncadd.s32 $0xFFFFE000  }
0x10: {  	[hbm4b:s8+s2] =	stream.linear.scatter [tilespmem:s6], [sflag:$0x2], $0x2000, $0x38;
	[tilespmem:$0x2080] =	vst v63  }
0x11: {  	_ =	swait.ge [sflag:s3], $0x2000  }
0x12: {  	s9 =	sadd.s32 $0xFFFFFFFF, s31;
	[sflag:s3] =	ssyncset.done $0x0  }
.LBB2_1:
0x13: {  	p0 =	sne.s32 s9, $0x1;
	s9 =	sadd.s32 $0xFFFFFFFF, s9;
	[sflag:s3] =	ssyncadd.s32 $0xFFFFE000  }
0x14: {  	[tilespmem:s2], [sflag:$0x2] =	stream.linear.gather [hbm4b:s4+s2], $0x80, $0x38;
	[tilespmem:$0x2080] =	vst v63  }
0x15: {  	_ =	swait.ge [sflag:s3], $0x80  }
0x16: {  	[sflag:s3] =	ssyncset.done $0x0  }
0x17: {  	[sflag:s3] =	ssyncadd.s32 $0xFFFFFF80  }
0x18: {  	[tilespmem:s6], [sflag:$0x1] =	stream.indirect.gather [hbm4b:s5+s6], $0x40, s2, s6, $0xb8;
	[tilespmem:$0x2080] =	vst v63  }
0x19: {  	_ =	swait.ge [sflag:s7], $0x2000  }
.Ltmp1:
0x1a: {  	[sflag:s7] =	ssyncset.done $0x0;
	(pc) =	sbr.rel @p0 .LBB2_1-.Ltmp1, $4  }
0x1b: {  	[sflag:s7] =	ssyncadd.s32 $0xFFFFE000  }
0x1c: {  	[hbm4b:s8+s2] =	stream.linear.scatter [tilespmem:s6], [sflag:$0x2], $0x2000, $0x38;
	[tilespmem:$0x2080] =	vst v63  }
0x1d: {  	_ =	swait.ge [sflag:s3], $0x2000  }
0x1e: {  	[sflag:s3] =	ssyncset.done $0x0  }
.LBB2_2:
0x1f: {  	[sflag:s3] =	ssyncadd.s32 $0xFFFFE000  }
0x20: {  	_ =	sfence.sel $0x180000  }
0x21: {  	[bflag:$0x0] =	sbarrier.arrive $0xFFFF  }
0x22: {  	p0 =	sne.s32 s0, $0x0;
	_ =	strace $0x9000004A  }
0x23: {  	s0 =	sadd.s32 @!p0 $0x100000, s1;
	[bflag:$0x2] =	sbarrier.arrive $0xFFFF  }
0x24: {  	[sflag:s0] =	ssyncadd.tile.s32 @!p0 $0x1;
	_ =	shalt  }
.Lfunc_end2:
_tile_overlayer_lowered:
.L_overlay_start_2:
0x25: {  	(tag) =	ssettag $0x2  }
0x26: {  	s0 =	rddreg [dreg:$0x0];
	s2 =	stileid.u32  }
0x27: {  	s1 =	rddreg [dreg:$0x1];
	p0 =	sne.s32 s2, $0x0  }
0x28: {  	s3 =	rddreg [dreg:$0x2];
	[bflag:$0x3] =	sbarrier.arrive $0xFFFF;
	s2 =	simm.s32 @!p0 $0x1C02  }
0x29: {  	[timem:s3], [sflag:s2] =	dma.local @!p0 [hbm:s0], s1  }
0x2a: {  	s0 =	simm.s32 @!p0 $0x2  }
0x2b: {  	_ =	swait.ge @!p0 [sflag:s0], s1  }
0x2c: {  	s1 =	ssub.s32 @!p0 $0x0, s1;
	[sflag:s0] =	ssyncset.done @!p0 $0x0  }
0x2d: {  	[sflag:s0] =	ssyncadd.s32 @!p0 s1  }
0x2e: {  	[bflag:$0x3] =	sbarrier.arrive $0xFFFF  }
0x2f: {  	_ =	shalt  }

</sc_bundles>
